<compile_context>
chip_gen: v7x
topology: tpu7x:2x2x1
jax: 0.10.2.dev20260603
libtpu: 0.0.44.dev20260713+nightly
codegen_flags: <defaults>
</compile_context>

<pallas_src>
import functools

import jax
import jax.numpy as jnp
from jax import lax
from jax.experimental import pallas as pl
from jax.experimental.pallas import tpu as pltpu
from jax.experimental.pallas import tpu_sc as plsc

DIM = 32
NC = 2
NS = 16
NW = NC * NS


@functools.partial(jax.jit, static_argnames=("batch", "fields", "chunk"))
def _gather_call(tok_flat, weight, *, batch, fields, chunk):
    b_total = batch * fields
    b_per_w = b_total // NW
    n_chunks = b_per_w // chunk
    bshift = batch.bit_length() - 1
    mesh = plsc.VectorSubcoreMesh(core_axis_name="c", subcore_axis_name="s")

    @functools.partial(
        pl.kernel,
        mesh=mesh,
        out_type=jax.ShapeDtypeStruct((fields, batch, DIM), jnp.float32),
        scratch_types=[
            pltpu.VMEM((b_per_w,), jnp.int32),
            pltpu.VMEM((chunk, DIM), jnp.float32),
            pltpu.VMEM((chunk, DIM), jnp.float32),
            pltpu.SemaphoreType.DMA,
            pltpu.SemaphoreType.DMA,
            pltpu.SemaphoreType.DMA,
            pltpu.SemaphoreType.DMA,
        ],
        compiler_params=pltpu.CompilerParams(use_tc_tiling_on_sc=False),
    )
    def body(idx_hbm, table_hbm, out_hbm, idx_v, rows0, rows1,
             gsem0, gsem1, ssem0, ssem1):
        wid = lax.axis_index("s") * NC + lax.axis_index("c")
        base = wid * b_per_w
        rows = (rows0, rows1)
        gsem = (gsem0, gsem1)

        pltpu.sync_copy(idx_hbm.at[pl.ds(base, b_per_w)], idx_v)

        def gather(k, buf):
            pltpu.async_copy(
                table_hbm.at[idx_v.at[pl.ds(k * chunk, chunk)]],
                rows[buf], gsem[buf])

        def wait_gather(k, buf):
            pltpu.make_async_copy(
                table_hbm.at[idx_v.at[pl.ds(k * chunk, chunk)]],
                rows[buf], gsem[buf]).wait()

        ssem = (ssem0, ssem1)

        def store(k, buf):
            g0 = base + k * chunk
            f = lax.shift_right_logical(g0, bshift)
            b0 = pl.multiple_of(jnp.bitwise_and(g0, batch - 1), chunk)
            pltpu.async_copy(
                rows[buf],
                out_hbm.at[f, pl.ds(b0, chunk)],
                ssem[buf])

        def wait_store(k, buf):
            g0 = base + k * chunk
            f = lax.shift_right_logical(g0, bshift)
            b0 = pl.multiple_of(jnp.bitwise_and(g0, batch - 1), chunk)
            pltpu.make_async_copy(
                rows[buf],
                out_hbm.at[f, pl.ds(b0, chunk)],
                ssem[buf]).wait()

        gather(0, 0)
        for k in range(n_chunks):
            cur = k % 2
            nxt = (k + 1) % 2
            if k + 1 < n_chunks:
                if k >= 1:
                    wait_store(k - 1, nxt)
                gather(k + 1, nxt)
            wait_gather(k, cur)
            store(k, cur)
        wait_store(n_chunks - 1, (n_chunks - 1) % 2)
        if n_chunks >= 2:
            wait_store(n_chunks - 2, (n_chunks - 2) % 2)

    return body(tok_flat, weight)


def kernel(token_ids, weight):
    batch, fields = token_ids.shape
    tok_flat = token_ids.T.reshape(batch * fields)
    out3 = _gather_call(tok_flat, weight, batch=batch, fields=fields,
                        chunk=1024)
    return out3.transpose(1, 0, 2)

# --- scband reference (transcript-rebuilt; emitter-appended) ---
"""Pipeline reference for scband-embedding-71201967833254 (READ-ONLY COPY).

The authoritative reference and input builder live on the scoring server;
editing this copy changes nothing except your own understanding.
"""

import jax, jax.numpy as jnp
import numpy as np

NUM_EMBEDDINGS = 1000000
EMBEDDING_DIM = 32
BATCH = 16384
FIELDS = 26

def setup_inputs(seed: int = 0) -> dict:
    key = jax.random.key(seed)
    k1, k2 = jax.random.split(key)
    token_ids = jax.random.randint(k1, (BATCH, FIELDS), 0, NUM_EMBEDDINGS, dtype=jnp.int64 if jax.config.jax_enable_x64 else jnp.int32)
    # trunc_normal(mean=0, std=1, a=-3, b=3) approximated via truncated normal
    weight = jax.random.truncated_normal(k2, -3.0, 3.0, (NUM_EMBEDDINGS, EMBEDDING_DIM), dtype=jnp.float32)
    return {"token_ids": token_ids, "weight": weight}

def reference(token_ids, weight):
    # tensor_out = self.weight[token_ids]
    return jnp.take(weight, token_ids, axis=0)

if __name__ == "__main__":
    import jax
    _d = setup_inputs()
    print(jax.jit(kernel)(*tuple(_d.values())))

</pallas_src>

<mosaic_0001>
#map = affine_map<(d0, d1) -> (0)>
#map1 = affine_map<(d0, d1) -> (0, 0)>
#map2 = affine_map<(d0, d1) -> (0, 0, 0)>
module attributes {stable_mosaic.version = 14 : i64} {
  func.func @body(%arg0: i32, %arg1: i32, %arg2: memref<425984xi32, #tpu.memory_space<hbm>>, %arg3: memref<1000000x32xf32, #tpu.memory_space<hbm>>, %arg4: memref<26x16384x32xf32, #tpu.memory_space<hbm>>, %arg5: memref<13312xi32, #tpu.memory_space<vmem>>, %arg6: memref<1024x32xf32, #tpu.memory_space<vmem>>, %arg7: memref<1024x32xf32, #tpu.memory_space<vmem>>, %arg8: memref<!tpu.dma_semaphore, #tpu.memory_space<semaphore_mem>>, %arg9: memref<!tpu.dma_semaphore, #tpu.memory_space<semaphore_mem>>, %arg10: memref<!tpu.dma_semaphore, #tpu.memory_space<semaphore_mem>>, %arg11: memref<!tpu.dma_semaphore, #tpu.memory_space<semaphore_mem>>) attributes {dimension_semantics = [#tpu.dimension_semantics<core_parallel>, #tpu.dimension_semantics<subcore_parallel>], iteration_bounds = array<i64: 2, 16>, scalar_prefetch = 0 : i64, scratch_operands = 7 : i64, tpu.core_type = #tpu.core_type<sc_vector_subcore>, window_params = [{transform_indices = #map}, {transform_indices = #map1}, {transform_indices = #map2}]} {
    %mul3A = arith.constant 2 : i32
    %mul3A_0 = arith.muli %arg1, %mul3A : i32
    %add3A = arith.addi %mul3A_0, %arg0 : i32
    %mul3A_1 = arith.constant 13312 : i32
    %mul3A_2 = arith.muli %add3A, %mul3A_1 : i32
    "tpu.region"() ({
      %run_scoped3A = tpu.sem_alloc : memref<!tpu.dma_semaphore, #tpu.memory_space<semaphore_mem>>
      %dma_start3A_466 = tpu.memref_slice %arg2[%mul3A_2] : memref<425984xi32, #tpu.memory_space<hbm>> -> memref<13312xi32, #tpu.memory_space<hbm>>
      %dma_start3A_467 = tpu.memref_slice %arg2[%mul3A_2] : memref<425984xi32, #tpu.memory_space<hbm>> -> memref<13312xi32, #tpu.memory_space<hbm>>
      tpu.enqueue_dma source(%dma_start3A_467 : memref<13312xi32, #tpu.memory_space<hbm>>) target(%arg5 : memref<13312xi32, #tpu.memory_space<vmem>>) target_semaphore(%run_scoped3A : memref<!tpu.dma_semaphore, #tpu.memory_space<semaphore_mem>>)
      %dma_wait3A_468 = tpu.memref_slice %arg2[%mul3A_2] : memref<425984xi32, #tpu.memory_space<hbm>> -> memref<13312xi32, #tpu.memory_space<hbm>>
      %dma_wait3A_469 = tpu.memref_slice %arg2[%mul3A_2] : memref<425984xi32, #tpu.memory_space<hbm>> -> memref<13312xi32, #tpu.memory_space<hbm>>
      tpu.wait_dma2 semaphore(%run_scoped3A : memref<!tpu.dma_semaphore, #tpu.memory_space<semaphore_mem>>) src(%dma_wait3A_469 : memref<13312xi32, #tpu.memory_space<hbm>>) dst(%arg5 : memref<13312xi32, #tpu.memory_space<vmem>>)
      tpu.yield
    }) : () -> ()
    %dma_start3A = arith.constant 0 : i32
    %dma_start3A_3 = tpu.memref_slice %arg5[%dma_start3A] : memref<13312xi32, #tpu.memory_space<vmem>> -> memref<1024xi32, #tpu.memory_space<vmem>>
    %dma_start3A_4 = arith.constant 0 : i32
    %dma_start3A_5 = arith.constant 0 : i32
    %dma_start3A_6 = tpu.memref_slice %arg3[%dma_start3A_4, %dma_start3A_5] : memref<1000000x32xf32, #tpu.memory_space<hbm>> -> memref<1000000x32xf32, #tpu.memory_space<hbm>>
    tpu.enqueue_indirect_dma source(%dma_start3A_6 : memref<1000000x32xf32, #tpu.memory_space<hbm>>) target(%arg6 : memref<1024x32xf32, #tpu.memory_space<vmem>>) offsets(%dma_start3A_3 : memref<1024xi32, #tpu.memory_space<vmem>>) semaphore(%arg8 : memref<!tpu.dma_semaphore, #tpu.memory_space<semaphore_mem>>)
    %dma_start3A_7 = arith.constant 1024 : i32
    %dma_start3A_8 = tpu.memref_slice %arg5[%dma_start3A_7] : memref<13312xi32, #tpu.memory_space<vmem>> -> memref<1024xi32, #tpu.memory_space<vmem>>
    %dma_start3A_9 = arith.constant 0 : i32
    %dma_start3A_10 = arith.constant 0 : i32
    %dma_start3A_11 = tpu.memref_slice %arg3[%dma_start3A_9, %dma_start3A_10] : memref<1000000x32xf32, #tpu.memory_space<hbm>> -> memref<1000000x32xf32, #tpu.memory_space<hbm>>
    tpu.enqueue_indirect_dma source(%dma_start3A_11 : memref<1000000x32xf32, #tpu.memory_space<hbm>>) target(%arg7 : memref<1024x32xf32, #tpu.memory_space<vmem>>) offsets(%dma_start3A_8 : memref<1024xi32, #tpu.memory_space<vmem>>) semaphore(%arg9 : memref<!tpu.dma_semaphore, #tpu.memory_space<semaphore_mem>>)
    %dma_wait3A = arith.constant 0 : i32
    %dma_wait3A_12 = tpu.memref_slice %arg5[%dma_wait3A] : memref<13312xi32, #tpu.memory_space<vmem>> -> memref<1024xi32, #tpu.memory_space<vmem>>
    %dma_wait3A_13 = arith.constant 0 : i32
    %dma_wait3A_14 = arith.constant 0 : i32
    %dma_wait3A_15 = tpu.memref_slice %arg3[%dma_wait3A_13, %dma_wait3A_14] : memref<1000000x32xf32, #tpu.memory_space<hbm>> -> memref<1000000x32xf32, #tpu.memory_space<hbm>>
    tpu.wait_indirect_dma semaphore(%arg8 : memref<!tpu.dma_semaphore, #tpu.memory_space<semaphore_mem>>) src(%dma_wait3A_15 : memref<1000000x32xf32, #tpu.memory_space<hbm>>) dst(%arg6 : memref<1024x32xf32, #tpu.memory_space<vmem>>)
    %add3A_16 = arith.constant 0 : i32
    %add3A_17 = arith.addi %mul3A_2, %add3A_16 : i32
    %shift_right_logical3A = arith.constant 14 : i32
    %shift_right_logical3A_18 = arith.shrui %add3A_17, %shift_right_logical3A : i32
    %and3A = arith.constant 16383 : i32
    %and3A_19 = arith.andi %add3A_17, %and3A : i32
    %multiple_of3A = tpu.assume_multiple %and3A_19, 1024 : i32
    %dma_start3A_20 = arith.constant 0 : i32
    %dma_start3A_21 = tpu.memref_slice %arg4[%shift_right_logical3A_18, %multiple_of3A, %dma_start3A_20] : memref<26x16384x32xf32, #tpu.memory_space<hbm>> -> memref<1x1024x32xf32, #tpu.memory_space<hbm>>
    %dma_start3A_22 = tpu.memref_squeeze %dma_start3A_21 : memref<1x1024x32xf32, #tpu.memory_space<hbm>> -> memref<1024x32xf32, #tpu.memory_space<hbm>>
    %dma_start3A_23 = arith.constant 0 : i32
    %dma_start3A_24 = tpu.memref_slice %arg4[%shift_right_logical3A_18, %multiple_of3A, %dma_start3A_23] : memref<26x16384x32xf32, #tpu.memory_space<hbm>> -> memref<1x1024x32xf32, #tpu.memory_space<hbm>>
    %dma_start3A_25 = tpu.memref_squeeze %dma_start3A_24 : memref<1x1024x32xf32, #tpu.memory_space<hbm>> -> memref<1024x32xf32, #tpu.memory_space<hbm>>
    tpu.enqueue_dma source(%arg6 : memref<1024x32xf32, #tpu.memory_space<vmem>>) target(%dma_start3A_25 : memref<1024x32xf32, #tpu.memory_space<hbm>>) target_semaphore(%arg10 : memref<!tpu.dma_semaphore, #tpu.memory_space<semaphore_mem>>)
    %add3A_26 = arith.constant 0 : i32
    %add3A_27 = arith.addi %mul3A_2, %add3A_26 : i32
    %shift_right_logical3A_28 = arith.constant 14 : i32
    %shift_right_logical3A_29 = arith.shrui %add3A_27, %shift_right_logical3A_28 : i32
    %and3A_30 = arith.constant 16383 : i32
    %and3A_31 = arith.andi %add3A_27, %and3A_30 : i32
    %multiple_of3A_32 = tpu.assume_multiple %and3A_31, 1024 : i32
    %dma_wait3A_33 = arith.constant 0 : i32
    %dma_wait3A_34 = tpu.memref_slice %arg4[%shift_right_logical3A_29, %multiple_of3A_32, %dma_wait3A_33] : memref<26x16384x32xf32, #tpu.memory_space<hbm>> -> memref<1x1024x32xf32, #tpu.memory_space<hbm>>
    %dma_wait3A_35 = tpu.memref_squeeze %dma_wait3A_34 : memref<1x1024x32xf32, #tpu.memory_space<hbm>> -> memref<1024x32xf32, #tpu.memory_space<hbm>>
    %dma_wait3A_36 = arith.constant 0 : i32
    %dma_wait3A_37 = tpu.memref_slice %arg4[%shift_right_logical3A_29, %multiple_of3A_32, %dma_wait3A_36] : memref<26x16384x32xf32, #tpu.memory_space<hbm>> -> memref<1x1024x32xf32, #tpu.memory_space<hbm>>
    %dma_wait3A_38 = tpu.memref_squeeze %dma_wait3A_37 : memref<1x1024x32xf32, #tpu.memory_space<hbm>> -> memref<1024x32xf32, #tpu.memory_space<hbm>>
    tpu.wait_dma2 semaphore(%arg10 : memref<!tpu.dma_semaphore, #tpu.memory_space<semaphore_mem>>) src(%arg6 : memref<1024x32xf32, #tpu.memory_space<vmem>>) dst(%dma_wait3A_38 : memref<1024x32xf32, #tpu.memory_space<hbm>>)
    %dma_start3A_39 = arith.constant 2048 : i32
    %dma_start3A_40 = tpu.memref_slice %arg5[%dma_start3A_39] : memref<13312xi32, #tpu.memory_space<vmem>> -> memref<1024xi32, #tpu.memory_space<vmem>>
    %dma_start3A_41 = arith.constant 0 : i32
    %dma_start3A_42 = arith.constant 0 : i32
    %dma_start3A_43 = tpu.memref_slice %arg3[%dma_start3A_41, %dma_start3A_42] : memref<1000000x32xf32, #tpu.memory_space<hbm>> -> memref<1000000x32xf32, #tpu.memory_space<hbm>>
    tpu.enqueue_indirect_dma source(%dma_start3A_43 : memref<1000000x32xf32, #tpu.memory_space<hbm>>) target(%arg6 : memref<1024x32xf32, #tpu.memory_space<vmem>>) offsets(%dma_start3A_40 : memref<1024xi32, #tpu.memory_space<vmem>>) semaphore(%arg8 : memref<!tpu.dma_semaphore, #tpu.memory_space<semaphore_mem>>)
    %dma_wait3A_44 = arith.constant 1024 : i32
    %dma_wait3A_45 = tpu.memref_slice %arg5[%dma_wait3A_44] : memref<13312xi32, #tpu.memory_space<vmem>> -> memref<1024xi32, #tpu.memory_space<vmem>>
    %dma_wait3A_46 = arith.constant 0 : i32
    %dma_wait3A_47 = arith.constant 0 : i32
    %dma_wait3A_48 = tpu.memref_slice %arg3[%dma_wait3A_46, %dma_wait3A_47] : memref<1000000x32xf32, #tpu.memory_space<hbm>> -> memref<1000000x32xf32, #tpu.memory_space<hbm>>
    tpu.wait_indirect_dma semaphore(%arg9 : memref<!tpu.dma_semaphore, #tpu.memory_space<semaphore_mem>>) src(%dma_wait3A_48 : memref<1000000x32xf32, #tpu.memory_space<hbm>>) dst(%arg7 : memref<1024x32xf32, #tpu.memory_space<vmem>>)
    %add3A_49 = arith.constant 1024 : i32
    %add3A_50 = arith.addi %mul3A_2, %add3A_49 : i32
    %shift_right_logical3A_51 = arith.constant 14 : i32
    %shift_right_logical3A_52 = arith.shrui %add3A_50, %shift_right_logical3A_51 : i32
    %and3A_53 = arith.constant 16383 : i32
    %and3A_54 = arith.andi %add3A_50, %and3A_53 : i32
    %multiple_of3A_55 = tpu.assume_multiple %and3A_54, 1024 : i32
    %dma_start3A_56 = arith.constant 0 : i32
    %dma_start3A_57 = tpu.memref_slice %arg4[%shift_right_logical3A_52, %multiple_of3A_55, %dma_start3A_56] : memref<26x16384x32xf32, #tpu.memory_space<hbm>> -> memref<1x1024x32xf32, #tpu.memory_space<hbm>>
    %dma_start3A_58 = tpu.memref_squeeze %dma_start3A_57 : memref<1x1024x32xf32, #tpu.memory_space<hbm>> -> memref<1024x32xf32, #tpu.memory_space<hbm>>
    %dma_start3A_59 = arith.constant 0 : i32
    %dma_start3A_60 = tpu.memref_slice %arg4[%shift_right_logical3A_52, %multiple_of3A_55, %dma_start3A_59] : memref<26x16384x32xf32, #tpu.memory_space<hbm>> -> memref<1x1024x32xf32, #tpu.memory_space<hbm>>
    %dma_start3A_61 = tpu.memref_squeeze %dma_start3A_60 : memref<1x1024x32xf32, #tpu.memory_space<hbm>> -> memref<1024x32xf32, #tpu.memory_space<hbm>>
    tpu.enqueue_dma source(%arg7 : memref<1024x32xf32, #tpu.memory_space<vmem>>) target(%dma_start3A_61 : memref<1024x32xf32, #tpu.memory_space<hbm>>) target_semaphore(%arg11 : memref<!tpu.dma_semaphore, #tpu.memory_space<semaphore_mem>>)
    %add3A_62 = arith.constant 1024 : i32
    %add3A_63 = arith.addi %mul3A_2, %add3A_62 : i32
    %shift_right_logical3A_64 = arith.constant 14 : i32
    %shift_right_logical3A_65 = arith.shrui %add3A_63, %shift_right_logical3A_64 : i32
    %and3A_66 = arith.constant 16383 : i32
    %and3A_67 = arith.andi %add3A_63, %and3A_66 : i32
    %multiple_of3A_68 = tpu.assume_multiple %and3A_67, 1024 : i32
    %dma_wait3A_69 = arith.constant 0 : i32
    %dma_wait3A_70 = tpu.memref_slice %arg4[%shift_right_logical3A_65, %multiple_of3A_68, %dma_wait3A_69] : memref<26x16384x32xf32, #tpu.memory_space<hbm>> -> memref<1x1024x32xf32, #tpu.memory_space<hbm>>
    %dma_wait3A_71 = tpu.memref_squeeze %dma_wait3A_70 : memref<1x1024x32xf32, #tpu.memory_space<hbm>> -> memref<1024x32xf32, #tpu.memory_space<hbm>>
    %dma_wait3A_72 = arith.constant 0 : i32
    %dma_wait3A_73 = tpu.memref_slice %arg4[%shift_right_logical3A_65, %multiple_of3A_68, %dma_wait3A_72] : memref<26x16384x32xf32, #tpu.memory_space<hbm>> -> memref<1x1024x32xf32, #tpu.memory_space<hbm>>
    %dma_wait3A_74 = tpu.memref_squeeze %dma_wait3A_73 : memref<1x1024x32xf32, #tpu.memory_space<hbm>> -> memref<1024x32xf32, #tpu.memory_space<hbm>>
    tpu.wait_dma2 semaphore(%arg11 : memref<!tpu.dma_semaphore, #tpu.memory_space<semaphore_mem>>) src(%arg7 : memref<1024x32xf32, #tpu.memory_space<vmem>>) dst(%dma_wait3A_74 : memref<1024x32xf32, #tpu.memory_space<hbm>>)
    %dma_start3A_75 = arith.constant 3072 : i32
    %dma_start3A_76 = tpu.memref_slice %arg5[%dma_start3A_75] : memref<13312xi32, #tpu.memory_space<vmem>> -> memref<1024xi32, #tpu.memory_space<vmem>>
    %dma_start3A_77 = arith.constant 0 : i32
    %dma_start3A_78 = arith.constant 0 : i32
    %dma_start3A_79 = tpu.memref_slice %arg3[%dma_start3A_77, %dma_start3A_78] : memref<1000000x32xf32, #tpu.memory_space<hbm>> -> memref<1000000x32xf32, #tpu.memory_space<hbm>>
    tpu.enqueue_indirect_dma source(%dma_start3A_79 : memref<1000000x32xf32, #tpu.memory_space<hbm>>) target(%arg7 : memref<1024x32xf32, #tpu.memory_space<vmem>>) offsets(%dma_start3A_76 : memref<1024xi32, #tpu.memory_space<vmem>>) semaphore(%arg9 : memref<!tpu.dma_semaphore, #tpu.memory_space<semaphore_mem>>)
    %dma_wait3A_80 = arith.constant 2048 : i32
    %dma_wait3A_81 = tpu.memref_slice %arg5[%dma_wait3A_80] : memref<13312xi32, #tpu.memory_space<vmem>> -> memref<1024xi32, #tpu.memory_space<vmem>>
    %dma_wait3A_82 = arith.constant 0 : i32
    %dma_wait3A_83 = arith.constant 0 : i32
    %dma_wait3A_84 = tpu.memref_slice %arg3[%dma_wait3A_82, %dma_wait3A_83] : memref<1000000x32xf32, #tpu.memory_space<hbm>> -> memref<1000000x32xf32, #tpu.memory_space<hbm>>
    tpu.wait_indirect_dma semaphore(%arg8 : memref<!tpu.dma_semaphore, #tpu.memory_space<semaphore_mem>>) src(%dma_wait3A_84 : memref<1000000x32xf32, #tpu.memory_space<hbm>>) dst(%arg6 : memref<1024x32xf32, #tpu.memory_space<vmem>>)
    %add3A_85 = arith.constant 2048 : i32
    %add3A_86 = arith.addi %mul3A_2, %add3A_85 : i32
    %shift_right_logical3A_87 = arith.constant 14 : i32
    %shift_right_logical3A_88 = arith.shrui %add3A_86, %shift_right_logical3A_87 : i32
    %and3A_89 = arith.constant 16383 : i32
    %and3A_90 = arith.andi %add3A_86, %and3A_89 : i32
    %multiple_of3A_91 = tpu.assume_multiple %and3A_90, 1024 : i32
    %dma_start3A_92 = arith.constant 0 : i32
    %dma_start3A_93 = tpu.memref_slice %arg4[%shift_right_logical3A_88, %multiple_of3A_91, %dma_start3A_92] : memref<26x16384x32xf32, #tpu.memory_space<hbm>> -> memref<1x1024x32xf32, #tpu.memory_space<hbm>>
    %dma_start3A_94 = tpu.memref_squeeze %dma_start3A_93 : memref<1x1024x32xf32, #tpu.memory_space<hbm>> -> memref<1024x32xf32, #tpu.memory_space<hbm>>
    %dma_start3A_95 = arith.constant 0 : i32
    %dma_start3A_96 = tpu.memref_slice %arg4[%shift_right_logical3A_88, %multiple_of3A_91, %dma_start3A_95] : memref<26x16384x32xf32, #tpu.memory_space<hbm>> -> memref<1x1024x32xf32, #tpu.memory_space<hbm>>
    %dma_start3A_97 = tpu.memref_squeeze %dma_start3A_96 : memref<1x1024x32xf32, #tpu.memory_space<hbm>> -> memref<1024x32xf32, #tpu.memory_space<hbm>>
    tpu.enqueue_dma source(%arg6 : memref<1024x32xf32, #tpu.memory_space<vmem>>) target(%dma_start3A_97 : memref<1024x32xf32, #tpu.memory_space<hbm>>) target_semaphore(%arg10 : memref<!tpu.dma_semaphore, #tpu.memory_space<semaphore_mem>>)
    %add3A_98 = arith.constant 2048 : i32
    %add3A_99 = arith.addi %mul3A_2, %add3A_98 : i32
    %shift_right_logical3A_100 = arith.constant 14 : i32
    %shift_right_logical3A_101 = arith.shrui %add3A_99, %shift_right_logical3A_100 : i32
    %and3A_102 = arith.constant 16383 : i32
    %and3A_103 = arith.andi %add3A_99, %and3A_102 : i32
    %multiple_of3A_104 = tpu.assume_multiple %and3A_103, 1024 : i32
    %dma_wait3A_105 = arith.constant 0 : i32
    %dma_wait3A_106 = tpu.memref_slice %arg4[%shift_right_logical3A_101, %multiple_of3A_104, %dma_wait3A_105] : memref<26x16384x32xf32, #tpu.memory_space<hbm>> -> memref<1x1024x32xf32, #tpu.memory_space<hbm>>
    %dma_wait3A_107 = tpu.memref_squeeze %dma_wait3A_106 : memref<1x1024x32xf32, #tpu.memory_space<hbm>> -> memref<1024x32xf32, #tpu.memory_space<hbm>>
    %dma_wait3A_108 = arith.constant 0 : i32
    %dma_wait3A_109 = tpu.memref_slice %arg4[%shift_right_logical3A_101, %multiple_of3A_104, %dma_wait3A_108] : memref<26x16384x32xf32, #tpu.memory_space<hbm>> -> memref<1x1024x32xf32, #tpu.memory_space<hbm>>
    %dma_wait3A_110 = tpu.memref_squeeze %dma_wait3A_109 : memref<1x1024x32xf32, #tpu.memory_space<hbm>> -> memref<1024x32xf32, #tpu.memory_space<hbm>>
    tpu.wait_dma2 semaphore(%arg10 : memref<!tpu.dma_semaphore, #tpu.memory_space<semaphore_mem>>) src(%arg6 : memref<1024x32xf32, #tpu.memory_space<vmem>>) dst(%dma_wait3A_110 : memref<1024x32xf32, #tpu.memory_space<hbm>>)
    %dma_start3A_111 = arith.constant 4096 : i32
    %dma_start3A_112 = tpu.memref_slice %arg5[%dma_start3A_111] : memref<13312xi32, #tpu.memory_space<vmem>> -> memref<1024xi32, #tpu.memory_space<vmem>>
    %dma_start3A_113 = arith.constant 0 : i32
    %dma_start3A_114 = arith.constant 0 : i32
    %dma_start3A_115 = tpu.memref_slice %arg3[%dma_start3A_113, %dma_start3A_114] : memref<1000000x32xf32, #tpu.memory_space<hbm>> -> memref<1000000x32xf32, #tpu.memory_space<hbm>>
    tpu.enqueue_indirect_dma source(%dma_start3A_115 : memref<1000000x32xf32, #tpu.memory_space<hbm>>) target(%arg6 : memref<1024x32xf32, #tpu.memory_space<vmem>>) offsets(%dma_start3A_112 : memref<1024xi32, #tpu.memory_space<vmem>>) semaphore(%arg8 : memref<!tpu.dma_semaphore, #tpu.memory_space<semaphore_mem>>)
    %dma_wait3A_116 = arith.constant 3072 : i32
    %dma_wait3A_117 = tpu.memref_slice %arg5[%dma_wait3A_116] : memref<13312xi32, #tpu.memory_space<vmem>> -> memref<1024xi32, #tpu.memory_space<vmem>>
    %dma_wait3A_118 = arith.constant 0 : i32
    %dma_wait3A_119 = arith.constant 0 : i32
    %dma_wait3A_120 = tpu.memref_slice %arg3[%dma_wait3A_118, %dma_wait3A_119] : memref<1000000x32xf32, #tpu.memory_space<hbm>> -> memref<1000000x32xf32, #tpu.memory_space<hbm>>
    tpu.wait_indirect_dma semaphore(%arg9 : memref<!tpu.dma_semaphore, #tpu.memory_space<semaphore_mem>>) src(%dma_wait3A_120 : memref<1000000x32xf32, #tpu.memory_space<hbm>>) dst(%arg7 : memref<1024x32xf32, #tpu.memory_space<vmem>>)
    %add3A_121 = arith.constant 3072 : i32
    %add3A_122 = arith.addi %mul3A_2, %add3A_121 : i32
    %shift_right_logical3A_123 = arith.constant 14 : i32
    %shift_right_logical3A_124 = arith.shrui %add3A_122, %shift_right_logical3A_123 : i32
    %and3A_125 = arith.constant 16383 : i32
    %and3A_126 = arith.andi %add3A_122, %and3A_125 : i32
    %multiple_of3A_127 = tpu.assume_multiple %and3A_126, 1024 : i32
    %dma_start3A_128 = arith.constant 0 : i32
    %dma_start3A_129 = tpu.memref_slice %arg4[%shift_right_logical3A_124, %multiple_of3A_127, %dma_start3A_128] : memref<26x16384x32xf32, #tpu.memory_space<hbm>> -> memref<1x1024x32xf32, #tpu.memory_space<hbm>>
    %dma_start3A_130 = tpu.memref_squeeze %dma_start3A_129 : memref<1x1024x32xf32, #tpu.memory_space<hbm>> -> memref<1024x32xf32, #tpu.memory_space<hbm>>
    %dma_start3A_131 = arith.constant 0 : i32
    %dma_start3A_132 = tpu.memref_slice %arg4[%shift_right_logical3A_124, %multiple_of3A_127, %dma_start3A_131] : memref<26x16384x32xf32, #tpu.memory_space<hbm>> -> memref<1x1024x32xf32, #tpu.memory_space<hbm>>
    %dma_start3A_133 = tpu.memref_squeeze %dma_start3A_132 : memref<1x1024x32xf32, #tpu.memory_space<hbm>> -> memref<1024x32xf32, #tpu.memory_space<hbm>>
    tpu.enqueue_dma source(%arg7 : memref<1024x32xf32, #tpu.memory_space<vmem>>) target(%dma_start3A_133 : memref<1024x32xf32, #tpu.memory_space<hbm>>) target_semaphore(%arg11 : memref<!tpu.dma_semaphore, #tpu.memory_space<semaphore_mem>>)
    %add3A_134 = arith.constant 3072 : i32
    %add3A_135 = arith.addi %mul3A_2, %add3A_134 : i32
    %shift_right_logical3A_136 = arith.constant 14 : i32
    %shift_right_logical3A_137 = arith.shrui %add3A_135, %shift_right_logical3A_136 : i32
    %and3A_138 = arith.constant 16383 : i32
    %and3A_139 = arith.andi %add3A_135, %and3A_138 : i32
    %multiple_of3A_140 = tpu.assume_multiple %and3A_139, 1024 : i32
    %dma_wait3A_141 = arith.constant 0 : i32
    %dma_wait3A_142 = tpu.memref_slice %arg4[%shift_right_logical3A_137, %multiple_of3A_140, %dma_wait3A_141] : memref<26x16384x32xf32, #tpu.memory_space<hbm>> -> memref<1x1024x32xf32, #tpu.memory_space<hbm>>
    %dma_wait3A_143 = tpu.memref_squeeze %dma_wait3A_142 : memref<1x1024x32xf32, #tpu.memory_space<hbm>> -> memref<1024x32xf32, #tpu.memory_space<hbm>>
    %dma_wait3A_144 = arith.constant 0 : i32
    %dma_wait3A_145 = tpu.memref_slice %arg4[%shift_right_logical3A_137, %multiple_of3A_140, %dma_wait3A_144] : memref<26x16384x32xf32, #tpu.memory_space<hbm>> -> memref<1x1024x32xf32, #tpu.memory_space<hbm>>
    %dma_wait3A_146 = tpu.memref_squeeze %dma_wait3A_145 : memref<1x1024x32xf32, #tpu.memory_space<hbm>> -> memref<1024x32xf32, #tpu.memory_space<hbm>>
    tpu.wait_dma2 semaphore(%arg11 : memref<!tpu.dma_semaphore, #tpu.memory_space<semaphore_mem>>) src(%arg7 : memref<1024x32xf32, #tpu.memory_space<vmem>>) dst(%dma_wait3A_146 : memref<1024x32xf32, #tpu.memory_space<hbm>>)
    %dma_start3A_147 = arith.constant 5120 : i32
    %dma_start3A_148 = tpu.memref_slice %arg5[%dma_start3A_147] : memref<13312xi32, #tpu.memory_space<vmem>> -> memref<1024xi32, #tpu.memory_space<vmem>>
    %dma_start3A_149 = arith.constant 0 : i32
    %dma_start3A_150 = arith.constant 0 : i32
    %dma_start3A_151 = tpu.memref_slice %arg3[%dma_start3A_149, %dma_start3A_150] : memref<1000000x32xf32, #tpu.memory_space<hbm>> -> memref<1000000x32xf32, #tpu.memory_space<hbm>>
    tpu.enqueue_indirect_dma source(%dma_start3A_151 : memref<1000000x32xf32, #tpu.memory_space<hbm>>) target(%arg7 : memref<1024x32xf32, #tpu.memory_space<vmem>>) offsets(%dma_start3A_148 : memref<1024xi32, #tpu.memory_space<vmem>>) semaphore(%arg9 : memref<!tpu.dma_semaphore, #tpu.memory_space<semaphore_mem>>)
    %dma_wait3A_152 = arith.constant 4096 : i32
    %dma_wait3A_153 = tpu.memref_slice %arg5[%dma_wait3A_152] : memref<13312xi32, #tpu.memory_space<vmem>> -> memref<1024xi32, #tpu.memory_space<vmem>>
    %dma_wait3A_154 = arith.constant 0 : i32
    %dma_wait3A_155 = arith.constant 0 : i32
    %dma_wait3A_156 = tpu.memref_slice %arg3[%dma_wait3A_154, %dma_wait3A_155] : memref<1000000x32xf32, #tpu.memory_space<hbm>> -> memref<1000000x32xf32, #tpu.memory_space<hbm>>
    tpu.wait_indirect_dma semaphore(%arg8 : memref<!tpu.dma_semaphore, #tpu.memory_space<semaphore_mem>>) src(%dma_wait3A_156 : memref<1000000x32xf32, #tpu.memory_space<hbm>>) dst(%arg6 : memref<1024x32xf32, #tpu.memory_space<vmem>>)
    %add3A_157 = arith.constant 4096 : i32
    %add3A_158 = arith.addi %mul3A_2, %add3A_157 : i32
    %shift_right_logical3A_159 = arith.constant 14 : i32
    %shift_right_logical3A_160 = arith.shrui %add3A_158, %shift_right_logical3A_159 : i32
    %and3A_161 = arith.constant 16383 : i32
    %and3A_162 = arith.andi %add3A_158, %and3A_161 : i32
    %multiple_of3A_163 = tpu.assume_multiple %and3A_162, 1024 : i32
    %dma_start3A_164 = arith.constant 0 : i32
    %dma_start3A_165 = tpu.memref_slice %arg4[%shift_right_logical3A_160, %multiple_of3A_163, %dma_start3A_164] : memref<26x16384x32xf32, #tpu.memory_space<hbm>> -> memref<1x1024x32xf32, #tpu.memory_space<hbm>>
    %dma_start3A_166 = tpu.memref_squeeze %dma_start3A_165 : memref<1x1024x32xf32, #tpu.memory_space<hbm>> -> memref<1024x32xf32, #tpu.memory_space<hbm>>
    %dma_start3A_167 = arith.constant 0 : i32
    %dma_start3A_168 = tpu.memref_slice %arg4[%shift_right_logical3A_160, %multiple_of3A_163, %dma_start3A_167] : memref<26x16384x32xf32, #tpu.memory_space<hbm>> -> memref<1x1024x32xf32, #tpu.memory_space<hbm>>
    %dma_start3A_169 = tpu.memref_squeeze %dma_start3A_168 : memref<1x1024x32xf32, #tpu.memory_space<hbm>> -> memref<1024x32xf32, #tpu.memory_space<hbm>>
    tpu.enqueue_dma source(%arg6 : memref<1024x32xf32, #tpu.memory_space<vmem>>) target(%dma_start3A_169 : memref<1024x32xf32, #tpu.memory_space<hbm>>) target_semaphore(%arg10 : memref<!tpu.dma_semaphore, #tpu.memory_space<semaphore_mem>>)
    %add3A_170 = arith.constant 4096 : i32
    %add3A_171 = arith.addi %mul3A_2, %add3A_170 : i32
    %shift_right_logical3A_172 = arith.constant 14 : i32
    %shift_right_logical3A_173 = arith.shrui %add3A_171, %shift_right_logical3A_172 : i32
    %and3A_174 = arith.constant 16383 : i32
    %and3A_175 = arith.andi %add3A_171, %and3A_174 : i32
    %multiple_of3A_176 = tpu.assume_multiple %and3A_175, 1024 : i32
    %dma_wait3A_177 = arith.constant 0 : i32
    %dma_wait3A_178 = tpu.memref_slice %arg4[%shift_right_logical3A_173, %multiple_of3A_176, %dma_wait3A_177] : memref<26x16384x32xf32, #tpu.memory_space<hbm>> -> memref<1x1024x32xf32, #tpu.memory_space<hbm>>
    %dma_wait3A_179 = tpu.memref_squeeze %dma_wait3A_178 : memref<1x1024x32xf32, #tpu.memory_space<hbm>> -> memref<1024x32xf32, #tpu.memory_space<hbm>>
    %dma_wait3A_180 = arith.constant 0 : i32
    %dma_wait3A_181 = tpu.memref_slice %arg4[%shift_right_logical3A_173, %multiple_of3A_176, %dma_wait3A_180] : memref<26x16384x32xf32, #tpu.memory_space<hbm>> -> memref<1x1024x32xf32, #tpu.memory_space<hbm>>
    %dma_wait3A_182 = tpu.memref_squeeze %dma_wait3A_181 : memref<1x1024x32xf32, #tpu.memory_space<hbm>> -> memref<1024x32xf32, #tpu.memory_space<hbm>>
    tpu.wait_dma2 semaphore(%arg10 : memref<!tpu.dma_semaphore, #tpu.memory_space<semaphore_mem>>) src(%arg6 : memref<1024x32xf32, #tpu.memory_space<vmem>>) dst(%dma_wait3A_182 : memref<1024x32xf32, #tpu.memory_space<hbm>>)
    %dma_start3A_183 = arith.constant 6144 : i32
    %dma_start3A_184 = tpu.memref_slice %arg5[%dma_start3A_183] : memref<13312xi32, #tpu.memory_space<vmem>> -> memref<1024xi32, #tpu.memory_space<vmem>>
    %dma_start3A_185 = arith.constant 0 : i32
    %dma_start3A_186 = arith.constant 0 : i32
    %dma_start3A_187 = tpu.memref_slice %arg3[%dma_start3A_185, %dma_start3A_186] : memref<1000000x32xf32, #tpu.memory_space<hbm>> -> memref<1000000x32xf32, #tpu.memory_space<hbm>>
    tpu.enqueue_indirect_dma source(%dma_start3A_187 : memref<1000000x32xf32, #tpu.memory_space<hbm>>) target(%arg6 : memref<1024x32xf32, #tpu.memory_space<vmem>>) offsets(%dma_start3A_184 : memref<1024xi32, #tpu.memory_space<vmem>>) semaphore(%arg8 : memref<!tpu.dma_semaphore, #tpu.memory_space<semaphore_mem>>)
    %dma_wait3A_188 = arith.constant 5120 : i32
    %dma_wait3A_189 = tpu.memref_slice %arg5[%dma_wait3A_188] : memref<13312xi32, #tpu.memory_space<vmem>> -> memref<1024xi32, #tpu.memory_space<vmem>>
    %dma_wait3A_190 = arith.constant 0 : i32
    %dma_wait3A_191 = arith.constant 0 : i32
    %dma_wait3A_192 = tpu.memref_slice %arg3[%dma_wait3A_190, %dma_wait3A_191] : memref<1000000x32xf32, #tpu.memory_space<hbm>> -> memref<1000000x32xf32, #tpu.memory_space<hbm>>
    tpu.wait_indirect_dma semaphore(%arg9 : memref<!tpu.dma_semaphore, #tpu.memory_space<semaphore_mem>>) src(%dma_wait3A_192 : memref<1000000x32xf32, #tpu.memory_space<hbm>>) dst(%arg7 : memref<1024x32xf32, #tpu.memory_space<vmem>>)
    %add3A_193 = arith.constant 5120 : i32
    %add3A_194 = arith.addi %mul3A_2, %add3A_193 : i32
    %shift_right_logical3A_195 = arith.constant 14 : i32
    %shift_right_logical3A_196 = arith.shrui %add3A_194, %shift_right_logical3A_195 : i32
    %and3A_197 = arith.constant 16383 : i32
    %and3A_198 = arith.andi %add3A_194, %and3A_197 : i32
    %multiple_of3A_199 = tpu.assume_multiple %and3A_198, 1024 : i32
    %dma_start3A_200 = arith.constant 0 : i32
    %dma_start3A_201 = tpu.memref_slice %arg4[%shift_right_logical3A_196, %multiple_of3A_199, %dma_start3A_200] : memref<26x16384x32xf32, #tpu.memory_space<hbm>> -> memref<1x1024x32xf32, #tpu.memory_space<hbm>>
    %dma_start3A_202 = tpu.memref_squeeze %dma_start3A_201 : memref<1x1024x32xf32, #tpu.memory_space<hbm>> -> memref<1024x32xf32, #tpu.memory_space<hbm>>
    %dma_start3A_203 = arith.constant 0 : i32
    %dma_start3A_204 = tpu.memref_slice %arg4[%shift_right_logical3A_196, %multiple_of3A_199, %dma_start3A_203] : memref<26x16384x32xf32, #tpu.memory_space<hbm>> -> memref<1x1024x32xf32, #tpu.memory_space<hbm>>
    %dma_start3A_205 = tpu.memref_squeeze %dma_start3A_204 : memref<1x1024x32xf32, #tpu.memory_space<hbm>> -> memref<1024x32xf32, #tpu.memory_space<hbm>>
    tpu.enqueue_dma source(%arg7 : memref<1024x32xf32, #tpu.memory_space<vmem>>) target(%dma_start3A_205 : memref<1024x32xf32, #tpu.memory_space<hbm>>) target_semaphore(%arg11 : memref<!tpu.dma_semaphore, #tpu.memory_space<semaphore_mem>>)
    %add3A_206 = arith.constant 5120 : i32
    %add3A_207 = arith.addi %mul3A_2, %add3A_206 : i32
    %shift_right_logical3A_208 = arith.constant 14 : i32
    %shift_right_logical3A_209 = arith.shrui %add3A_207, %shift_right_logical3A_208 : i32
    %and3A_210 = arith.constant 16383 : i32
    %and3A_211 = arith.andi %add3A_207, %and3A_210 : i32
    %multiple_of3A_212 = tpu.assume_multiple %and3A_211, 1024 : i32
    %dma_wait3A_213 = arith.constant 0 : i32
    %dma_wait3A_214 = tpu.memref_slice %arg4[%shift_right_logical3A_209, %multiple_of3A_212, %dma_wait3A_213] : memref<26x16384x32xf32, #tpu.memory_space<hbm>> -> memref<1x1024x32xf32, #tpu.memory_space<hbm>>
    %dma_wait3A_215 = tpu.memref_squeeze %dma_wait3A_214 : memref<1x1024x32xf32, #tpu.memory_space<hbm>> -> memref<1024x32xf32, #tpu.memory_space<hbm>>
    %dma_wait3A_216 = arith.constant 0 : i32
    %dma_wait3A_217 = tpu.memref_slice %arg4[%shift_right_logical3A_209, %multiple_of3A_212, %dma_wait3A_216] : memref<26x16384x32xf32, #tpu.memory_space<hbm>> -> memref<1x1024x32xf32, #tpu.memory_space<hbm>>
    %dma_wait3A_218 = tpu.memref_squeeze %dma_wait3A_217 : memref<1x1024x32xf32, #tpu.memory_space<hbm>> -> memref<1024x32xf32, #tpu.memory_space<hbm>>
    tpu.wait_dma2 semaphore(%arg11 : memref<!tpu.dma_semaphore, #tpu.memory_space<semaphore_mem>>) src(%arg7 : memref<1024x32xf32, #tpu.memory_space<vmem>>) dst(%dma_wait3A_218 : memref<1024x32xf32, #tpu.memory_space<hbm>>)
    %dma_start3A_219 = arith.constant 7168 : i32
    %dma_start3A_220 = tpu.memref_slice %arg5[%dma_start3A_219] : memref<13312xi32, #tpu.memory_space<vmem>> -> memref<1024xi32, #tpu.memory_space<vmem>>
    %dma_start3A_221 = arith.constant 0 : i32
    %dma_start3A_222 = arith.constant 0 : i32
    %dma_start3A_223 = tpu.memref_slice %arg3[%dma_start3A_221, %dma_start3A_222] : memref<1000000x32xf32, #tpu.memory_space<hbm>> -> memref<1000000x32xf32, #tpu.memory_space<hbm>>
    tpu.enqueue_indirect_dma source(%dma_start3A_223 : memref<1000000x32xf32, #tpu.memory_space<hbm>>) target(%arg7 : memref<1024x32xf32, #tpu.memory_space<vmem>>) offsets(%dma_start3A_220 : memref<1024xi32, #tpu.memory_space<vmem>>) semaphore(%arg9 : memref<!tpu.dma_semaphore, #tpu.memory_space<semaphore_mem>>)
    %dma_wait3A_224 = arith.constant 6144 : i32
    %dma_wait3A_225 = tpu.memref_slice %arg5[%dma_wait3A_224] : memref<13312xi32, #tpu.memory_space<vmem>> -> memref<1024xi32, #tpu.memory_space<vmem>>
    %dma_wait3A_226 = arith.constant 0 : i32
    %dma_wait3A_227 = arith.constant 0 : i32
    %dma_wait3A_228 = tpu.memref_slice %arg3[%dma_wait3A_226, %dma_wait3A_227] : memref<1000000x32xf32, #tpu.memory_space<hbm>> -> memref<1000000x32xf32, #tpu.memory_space<hbm>>
    tpu.wait_indirect_dma semaphore(%arg8 : memref<!tpu.dma_semaphore, #tpu.memory_space<semaphore_mem>>) src(%dma_wait3A_228 : memref<1000000x32xf32, #tpu.memory_space<hbm>>) dst(%arg6 : memref<1024x32xf32, #tpu.memory_space<vmem>>)
    %add3A_229 = arith.constant 6144 : i32
    %add3A_230 = arith.addi %mul3A_2, %add3A_229 : i32
    %shift_right_logical3A_231 = arith.constant 14 : i32
    %shift_right_logical3A_232 = arith.shrui %add3A_230, %shift_right_logical3A_231 : i32
    %and3A_233 = arith.constant 16383 : i32
    %and3A_234 = arith.andi %add3A_230, %and3A_233 : i32
    %multiple_of3A_235 = tpu.assume_multiple %and3A_234, 1024 : i32
    %dma_start3A_236 = arith.constant 0 : i32
    %dma_start3A_237 = tpu.memref_slice %arg4[%shift_right_logical3A_232, %multiple_of3A_235, %dma_start3A_236] : memref<26x16384x32xf32, #tpu.memory_space<hbm>> -> memref<1x1024x32xf32, #tpu.memory_space<hbm>>
    %dma_start3A_238 = tpu.memref_squeeze %dma_start3A_237 : memref<1x1024x32xf32, #tpu.memory_space<hbm>> -> memref<1024x32xf32, #tpu.memory_space<hbm>>
    %dma_start3A_239 = arith.constant 0 : i32
    %dma_start3A_240 = tpu.memref_slice %arg4[%shift_right_logical3A_232, %multiple_of3A_235, %dma_start3A_239] : memref<26x16384x32xf32, #tpu.memory_space<hbm>> -> memref<1x1024x32xf32, #tpu.memory_space<hbm>>
    %dma_start3A_241 = tpu.memref_squeeze %dma_start3A_240 : memref<1x1024x32xf32, #tpu.memory_space<hbm>> -> memref<1024x32xf32, #tpu.memory_space<hbm>>
    tpu.enqueue_dma source(%arg6 : memref<1024x32xf32, #tpu.memory_space<vmem>>) target(%dma_start3A_241 : memref<1024x32xf32, #tpu.memory_space<hbm>>) target_semaphore(%arg10 : memref<!tpu.dma_semaphore, #tpu.memory_space<semaphore_mem>>)
    %add3A_242 = arith.constant 6144 : i32
    %add3A_243 = arith.addi %mul3A_2, %add3A_242 : i32
    %shift_right_logical3A_244 = arith.constant 14 : i32
    %shift_right_logical3A_245 = arith.shrui %add3A_243, %shift_right_logical3A_244 : i32
    %and3A_246 = arith.constant 16383 : i32
    %and3A_247 = arith.andi %add3A_243, %and3A_246 : i32
    %multiple_of3A_248 = tpu.assume_multiple %and3A_247, 1024 : i32
    %dma_wait3A_249 = arith.constant 0 : i32
    %dma_wait3A_250 = tpu.memref_slice %arg4[%shift_right_logical3A_245, %multiple_of3A_248, %dma_wait3A_249] : memref<26x16384x32xf32, #tpu.memory_space<hbm>> -> memref<1x1024x32xf32, #tpu.memory_space<hbm>>
    %dma_wait3A_251 = tpu.memref_squeeze %dma_wait3A_250 : memref<1x1024x32xf32, #tpu.memory_space<hbm>> -> memref<1024x32xf32, #tpu.memory_space<hbm>>
    %dma_wait3A_252 = arith.constant 0 : i32
    %dma_wait3A_253 = tpu.memref_slice %arg4[%shift_right_logical3A_245, %multiple_of3A_248, %dma_wait3A_252] : memref<26x16384x32xf32, #tpu.memory_space<hbm>> -> memref<1x1024x32xf32, #tpu.memory_space<hbm>>
    %dma_wait3A_254 = tpu.memref_squeeze %dma_wait3A_253 : memref<1x1024x32xf32, #tpu.memory_space<hbm>> -> memref<1024x32xf32, #tpu.memory_space<hbm>>
    tpu.wait_dma2 semaphore(%arg10 : memref<!tpu.dma_semaphore, #tpu.memory_space<semaphore_mem>>) src(%arg6 : memref<1024x32xf32, #tpu.memory_space<vmem>>) dst(%dma_wait3A_254 : memref<1024x32xf32, #tpu.memory_space<hbm>>)
    %dma_start3A_255 = arith.constant 8192 : i32
    %dma_start3A_256 = tpu.memref_slice %arg5[%dma_start3A_255] : memref<13312xi32, #tpu.memory_space<vmem>> -> memref<1024xi32, #tpu.memory_space<vmem>>
    %dma_start3A_257 = arith.constant 0 : i32
    %dma_start3A_258 = arith.constant 0 : i32
    %dma_start3A_259 = tpu.memref_slice %arg3[%dma_start3A_257, %dma_start3A_258] : memref<1000000x32xf32, #tpu.memory_space<hbm>> -> memref<1000000x32xf32, #tpu.memory_space<hbm>>
    tpu.enqueue_indirect_dma source(%dma_start3A_259 : memref<1000000x32xf32, #tpu.memory_space<hbm>>) target(%arg6 : memref<1024x32xf32, #tpu.memory_space<vmem>>) offsets(%dma_start3A_256 : memref<1024xi32, #tpu.memory_space<vmem>>) semaphore(%arg8 : memref<!tpu.dma_semaphore, #tpu.memory_space<semaphore_mem>>)
    %dma_wait3A_260 = arith.constant 7168 : i32
    %dma_wait3A_261 = tpu.memref_slice %arg5[%dma_wait3A_260] : memref<13312xi32, #tpu.memory_space<vmem>> -> memref<1024xi32, #tpu.memory_space<vmem>>
    %dma_wait3A_262 = arith.constant 0 : i32
    %dma_wait3A_263 = arith.constant 0 : i32
    %dma_wait3A_264 = tpu.memref_slice %arg3[%dma_wait3A_262, %dma_wait3A_263] : memref<1000000x32xf32, #tpu.memory_space<hbm>> -> memref<1000000x32xf32, #tpu.memory_space<hbm>>
    tpu.wait_indirect_dma semaphore(%arg9 : memref<!tpu.dma_semaphore, #tpu.memory_space<semaphore_mem>>) src(%dma_wait3A_264 : memref<1000000x32xf32, #tpu.memory_space<hbm>>) dst(%arg7 : memref<1024x32xf32, #tpu.memory_space<vmem>>)
    %add3A_265 = arith.constant 7168 : i32
    %add3A_266 = arith.addi %mul3A_2, %add3A_265 : i32
    %shift_right_logical3A_267 = arith.constant 14 : i32
    %shift_right_logical3A_268 = arith.shrui %add3A_266, %shift_right_logical3A_267 : i32
    %and3A_269 = arith.constant 16383 : i32
    %and3A_270 = arith.andi %add3A_266, %and3A_269 : i32
    %multiple_of3A_271 = tpu.assume_multiple %and3A_270, 1024 : i32
    %dma_start3A_272 = arith.constant 0 : i32
    %dma_start3A_273 = tpu.memref_slice %arg4[%shift_right_logical3A_268, %multiple_of3A_271, %dma_start3A_272] : memref<26x16384x32xf32, #tpu.memory_space<hbm>> -> memref<1x1024x32xf32, #tpu.memory_space<hbm>>
    %dma_start3A_274 = tpu.memref_squeeze %dma_start3A_273 : memref<1x1024x32xf32, #tpu.memory_space<hbm>> -> memref<1024x32xf32, #tpu.memory_space<hbm>>
    %dma_start3A_275 = arith.constant 0 : i32
    %dma_start3A_276 = tpu.memref_slice %arg4[%shift_right_logical3A_268, %multiple_of3A_271, %dma_start3A_275] : memref<26x16384x32xf32, #tpu.memory_space<hbm>> -> memref<1x1024x32xf32, #tpu.memory_space<hbm>>
    %dma_start3A_277 = tpu.memref_squeeze %dma_start3A_276 : memref<1x1024x32xf32, #tpu.memory_space<hbm>> -> memref<1024x32xf32, #tpu.memory_space<hbm>>
    tpu.enqueue_dma source(%arg7 : memref<1024x32xf32, #tpu.memory_space<vmem>>) target(%dma_start3A_277 : memref<1024x32xf32, #tpu.memory_space<hbm>>) target_semaphore(%arg11 : memref<!tpu.dma_semaphore, #tpu.memory_space<semaphore_mem>>)
    %add3A_278 = arith.constant 7168 : i32
    %add3A_279 = arith.addi %mul3A_2, %add3A_278 : i32
    %shift_right_logical3A_280 = arith.constant 14 : i32
    %shift_right_logical3A_281 = arith.shrui %add3A_279, %shift_right_logical3A_280 : i32
    %and3A_282 = arith.constant 16383 : i32
    %and3A_283 = arith.andi %add3A_279, %and3A_282 : i32
    %multiple_of3A_284 = tpu.assume_multiple %and3A_283, 1024 : i32
    %dma_wait3A_285 = arith.constant 0 : i32
    %dma_wait3A_286 = tpu.memref_slice %arg4[%shift_right_logical3A_281, %multiple_of3A_284, %dma_wait3A_285] : memref<26x16384x32xf32, #tpu.memory_space<hbm>> -> memref<1x1024x32xf32, #tpu.memory_space<hbm>>
    %dma_wait3A_287 = tpu.memref_squeeze %dma_wait3A_286 : memref<1x1024x32xf32, #tpu.memory_space<hbm>> -> memref<1024x32xf32, #tpu.memory_space<hbm>>
    %dma_wait3A_288 = arith.constant 0 : i32
    %dma_wait3A_289 = tpu.memref_slice %arg4[%shift_right_logical3A_281, %multiple_of3A_284, %dma_wait3A_288] : memref<26x16384x32xf32, #tpu.memory_space<hbm>> -> memref<1x1024x32xf32, #tpu.memory_space<hbm>>
    %dma_wait3A_290 = tpu.memref_squeeze %dma_wait3A_289 : memref<1x1024x32xf32, #tpu.memory_space<hbm>> -> memref<1024x32xf32, #tpu.memory_space<hbm>>
    tpu.wait_dma2 semaphore(%arg11 : memref<!tpu.dma_semaphore, #tpu.memory_space<semaphore_mem>>) src(%arg7 : memref<1024x32xf32, #tpu.memory_space<vmem>>) dst(%dma_wait3A_290 : memref<1024x32xf32, #tpu.memory_space<hbm>>)
    %dma_start3A_291 = arith.constant 9216 : i32
    %dma_start3A_292 = tpu.memref_slice %arg5[%dma_start3A_291] : memref<13312xi32, #tpu.memory_space<vmem>> -> memref<1024xi32, #tpu.memory_space<vmem>>
    %dma_start3A_293 = arith.constant 0 : i32
    %dma_start3A_294 = arith.constant 0 : i32
    %dma_start3A_295 = tpu.memref_slice %arg3[%dma_start3A_293, %dma_start3A_294] : memref<1000000x32xf32, #tpu.memory_space<hbm>> -> memref<1000000x32xf32, #tpu.memory_space<hbm>>
    tpu.enqueue_indirect_dma source(%dma_start3A_295 : memref<1000000x32xf32, #tpu.memory_space<hbm>>) target(%arg7 : memref<1024x32xf32, #tpu.memory_space<vmem>>) offsets(%dma_start3A_292 : memref<1024xi32, #tpu.memory_space<vmem>>) semaphore(%arg9 : memref<!tpu.dma_semaphore, #tpu.memory_space<semaphore_mem>>)
    %dma_wait3A_296 = arith.constant 8192 : i32
    %dma_wait3A_297 = tpu.memref_slice %arg5[%dma_wait3A_296] : memref<13312xi32, #tpu.memory_space<vmem>> -> memref<1024xi32, #tpu.memory_space<vmem>>
    %dma_wait3A_298 = arith.constant 0 : i32
    %dma_wait3A_299 = arith.constant 0 : i32
    %dma_wait3A_300 = tpu.memref_slice %arg3[%dma_wait3A_298, %dma_wait3A_299] : memref<1000000x32xf32, #tpu.memory_space<hbm>> -> memref<1000000x32xf32, #tpu.memory_space<hbm>>
    tpu.wait_indirect_dma semaphore(%arg8 : memref<!tpu.dma_semaphore, #tpu.memory_space<semaphore_mem>>) src(%dma_wait3A_300 : memref<1000000x32xf32, #tpu.memory_space<hbm>>) dst(%arg6 : memref<1024x32xf32, #tpu.memory_space<vmem>>)
    %add3A_301 = arith.constant 8192 : i32
    %add3A_302 = arith.addi %mul3A_2, %add3A_301 : i32
    %shift_right_logical3A_303 = arith.constant 14 : i32
    %shift_right_logical3A_304 = arith.shrui %add3A_302, %shift_right_logical3A_303 : i32
    %and3A_305 = arith.constant 16383 : i32
    %and3A_306 = arith.andi %add3A_302, %and3A_305 : i32
    %multiple_of3A_307 = tpu.assume_multiple %and3A_306, 1024 : i32
    %dma_start3A_308 = arith.constant 0 : i32
    %dma_start3A_309 = tpu.memref_slice %arg4[%shift_right_logical3A_304, %multiple_of3A_307, %dma_start3A_308] : memref<26x16384x32xf32, #tpu.memory_space<hbm>> -> memref<1x1024x32xf32, #tpu.memory_space<hbm>>
    %dma_start3A_310 = tpu.memref_squeeze %dma_start3A_309 : memref<1x1024x32xf32, #tpu.memory_space<hbm>> -> memref<1024x32xf32, #tpu.memory_space<hbm>>
    %dma_start3A_311 = arith.constant 0 : i32
    %dma_start3A_312 = tpu.memref_slice %arg4[%shift_right_logical3A_304, %multiple_of3A_307, %dma_start3A_311] : memref<26x16384x32xf32, #tpu.memory_space<hbm>> -> memref<1x1024x32xf32, #tpu.memory_space<hbm>>
    %dma_start3A_313 = tpu.memref_squeeze %dma_start3A_312 : memref<1x1024x32xf32, #tpu.memory_space<hbm>> -> memref<1024x32xf32, #tpu.memory_space<hbm>>
    tpu.enqueue_dma source(%arg6 : memref<1024x32xf32, #tpu.memory_space<vmem>>) target(%dma_start3A_313 : memref<1024x32xf32, #tpu.memory_space<hbm>>) target_semaphore(%arg10 : memref<!tpu.dma_semaphore, #tpu.memory_space<semaphore_mem>>)
    %add3A_314 = arith.constant 8192 : i32
    %add3A_315 = arith.addi %mul3A_2, %add3A_314 : i32
    %shift_right_logical3A_316 = arith.constant 14 : i32
    %shift_right_logical3A_317 = arith.shrui %add3A_315, %shift_right_logical3A_316 : i32
    %and3A_318 = arith.constant 16383 : i32
    %and3A_319 = arith.andi %add3A_315, %and3A_318 : i32
    %multiple_of3A_320 = tpu.assume_multiple %and3A_319, 1024 : i32
    %dma_wait3A_321 = arith.constant 0 : i32
    %dma_wait3A_322 = tpu.memref_slice %arg4[%shift_right_logical3A_317, %multiple_of3A_320, %dma_wait3A_321] : memref<26x16384x32xf32, #tpu.memory_space<hbm>> -> memref<1x1024x32xf32, #tpu.memory_space<hbm>>
    %dma_wait3A_323 = tpu.memref_squeeze %dma_wait3A_322 : memref<1x1024x32xf32, #tpu.memory_space<hbm>> -> memref<1024x32xf32, #tpu.memory_space<hbm>>
    %dma_wait3A_324 = arith.constant 0 : i32
    %dma_wait3A_325 = tpu.memref_slice %arg4[%shift_right_logical3A_317, %multiple_of3A_320, %dma_wait3A_324] : memref<26x16384x32xf32, #tpu.memory_space<hbm>> -> memref<1x1024x32xf32, #tpu.memory_space<hbm>>
    %dma_wait3A_326 = tpu.memref_squeeze %dma_wait3A_325 : memref<1x1024x32xf32, #tpu.memory_space<hbm>> -> memref<1024x32xf32, #tpu.memory_space<hbm>>
    tpu.wait_dma2 semaphore(%arg10 : memref<!tpu.dma_semaphore, #tpu.memory_space<semaphore_mem>>) src(%arg6 : memref<1024x32xf32, #tpu.memory_space<vmem>>) dst(%dma_wait3A_326 : memref<1024x32xf32, #tpu.memory_space<hbm>>)
    %dma_start3A_327 = arith.constant 10240 : i32
    %dma_start3A_328 = tpu.memref_slice %arg5[%dma_start3A_327] : memref<13312xi32, #tpu.memory_space<vmem>> -> memref<1024xi32, #tpu.memory_space<vmem>>
    %dma_start3A_329 = arith.constant 0 : i32
    %dma_start3A_330 = arith.constant 0 : i32
    %dma_start3A_331 = tpu.memref_slice %arg3[%dma_start3A_329, %dma_start3A_330] : memref<1000000x32xf32, #tpu.memory_space<hbm>> -> memref<1000000x32xf32, #tpu.memory_space<hbm>>
    tpu.enqueue_indirect_dma source(%dma_start3A_331 : memref<1000000x32xf32, #tpu.memory_space<hbm>>) target(%arg6 : memref<1024x32xf32, #tpu.memory_space<vmem>>) offsets(%dma_start3A_328 : memref<1024xi32, #tpu.memory_space<vmem>>) semaphore(%arg8 : memref<!tpu.dma_semaphore, #tpu.memory_space<semaphore_mem>>)
    %dma_wait3A_332 = arith.constant 9216 : i32
    %dma_wait3A_333 = tpu.memref_slice %arg5[%dma_wait3A_332] : memref<13312xi32, #tpu.memory_space<vmem>> -> memref<1024xi32, #tpu.memory_space<vmem>>
    %dma_wait3A_334 = arith.constant 0 : i32
    %dma_wait3A_335 = arith.constant 0 : i32
    %dma_wait3A_336 = tpu.memref_slice %arg3[%dma_wait3A_334, %dma_wait3A_335] : memref<1000000x32xf32, #tpu.memory_space<hbm>> -> memref<1000000x32xf32, #tpu.memory_space<hbm>>
    tpu.wait_indirect_dma semaphore(%arg9 : memref<!tpu.dma_semaphore, #tpu.memory_space<semaphore_mem>>) src(%dma_wait3A_336 : memref<1000000x32xf32, #tpu.memory_space<hbm>>) dst(%arg7 : memref<1024x32xf32, #tpu.memory_space<vmem>>)
    %add3A_337 = arith.constant 9216 : i32
    %add3A_338 = arith.addi %mul3A_2, %add3A_337 : i32
    %shift_right_logical3A_339 = arith.constant 14 : i32
    %shift_right_logical3A_340 = arith.shrui %add3A_338, %shift_right_logical3A_339 : i32
    %and3A_341 = arith.constant 16383 : i32
    %and3A_342 = arith.andi %add3A_338, %and3A_341 : i32
    %multiple_of3A_343 = tpu.assume_multiple %and3A_342, 1024 : i32
    %dma_start3A_344 = arith.constant 0 : i32
    %dma_start3A_345 = tpu.memref_slice %arg4[%shift_right_logical3A_340, %multiple_of3A_343, %dma_start3A_344] : memref<26x16384x32xf32, #tpu.memory_space<hbm>> -> memref<1x1024x32xf32, #tpu.memory_space<hbm>>
    %dma_start3A_346 = tpu.memref_squeeze %dma_start3A_345 : memref<1x1024x32xf32, #tpu.memory_space<hbm>> -> memref<1024x32xf32, #tpu.memory_space<hbm>>
    %dma_start3A_347 = arith.constant 0 : i32
    %dma_start3A_348 = tpu.memref_slice %arg4[%shift_right_logical3A_340, %multiple_of3A_343, %dma_start3A_347] : memref<26x16384x32xf32, #tpu.memory_space<hbm>> -> memref<1x1024x32xf32, #tpu.memory_space<hbm>>
    %dma_start3A_349 = tpu.memref_squeeze %dma_start3A_348 : memref<1x1024x32xf32, #tpu.memory_space<hbm>> -> memref<1024x32xf32, #tpu.memory_space<hbm>>
    tpu.enqueue_dma source(%arg7 : memref<1024x32xf32, #tpu.memory_space<vmem>>) target(%dma_start3A_349 : memref<1024x32xf32, #tpu.memory_space<hbm>>) target_semaphore(%arg11 : memref<!tpu.dma_semaphore, #tpu.memory_space<semaphore_mem>>)
    %add3A_350 = arith.constant 9216 : i32
    %add3A_351 = arith.addi %mul3A_2, %add3A_350 : i32
    %shift_right_logical3A_352 = arith.constant 14 : i32
    %shift_right_logical3A_353 = arith.shrui %add3A_351, %shift_right_logical3A_352 : i32
    %and3A_354 = arith.constant 16383 : i32
    %and3A_355 = arith.andi %add3A_351, %and3A_354 : i32
    %multiple_of3A_356 = tpu.assume_multiple %and3A_355, 1024 : i32
    %dma_wait3A_357 = arith.constant 0 : i32
    %dma_wait3A_358 = tpu.memref_slice %arg4[%shift_right_logical3A_353, %multiple_of3A_356, %dma_wait3A_357] : memref<26x16384x32xf32, #tpu.memory_space<hbm>> -> memref<1x1024x32xf32, #tpu.memory_space<hbm>>
    %dma_wait3A_359 = tpu.memref_squeeze %dma_wait3A_358 : memref<1x1024x32xf32, #tpu.memory_space<hbm>> -> memref<1024x32xf32, #tpu.memory_space<hbm>>
    %dma_wait3A_360 = arith.constant 0 : i32
    %dma_wait3A_361 = tpu.memref_slice %arg4[%shift_right_logical3A_353, %multiple_of3A_356, %dma_wait3A_360] : memref<26x16384x32xf32, #tpu.memory_space<hbm>> -> memref<1x1024x32xf32, #tpu.memory_space<hbm>>
    %dma_wait3A_362 = tpu.memref_squeeze %dma_wait3A_361 : memref<1x1024x32xf32, #tpu.memory_space<hbm>> -> memref<1024x32xf32, #tpu.memory_space<hbm>>
    tpu.wait_dma2 semaphore(%arg11 : memref<!tpu.dma_semaphore, #tpu.memory_space<semaphore_mem>>) src(%arg7 : memref<1024x32xf32, #tpu.memory_space<vmem>>) dst(%dma_wait3A_362 : memref<1024x32xf32, #tpu.memory_space<hbm>>)
    %dma_start3A_363 = arith.constant 11264 : i32
    %dma_start3A_364 = tpu.memref_slice %arg5[%dma_start3A_363] : memref<13312xi32, #tpu.memory_space<vmem>> -> memref<1024xi32, #tpu.memory_space<vmem>>
    %dma_start3A_365 = arith.constant 0 : i32
    %dma_start3A_366 = arith.constant 0 : i32
    %dma_start3A_367 = tpu.memref_slice %arg3[%dma_start3A_365, %dma_start3A_366] : memref<1000000x32xf32, #tpu.memory_space<hbm>> -> memref<1000000x32xf32, #tpu.memory_space<hbm>>
    tpu.enqueue_indirect_dma source(%dma_start3A_367 : memref<1000000x32xf32, #tpu.memory_space<hbm>>) target(%arg7 : memref<1024x32xf32, #tpu.memory_space<vmem>>) offsets(%dma_start3A_364 : memref<1024xi32, #tpu.memory_space<vmem>>) semaphore(%arg9 : memref<!tpu.dma_semaphore, #tpu.memory_space<semaphore_mem>>)
    %dma_wait3A_368 = arith.constant 10240 : i32
    %dma_wait3A_369 = tpu.memref_slice %arg5[%dma_wait3A_368] : memref<13312xi32, #tpu.memory_space<vmem>> -> memref<1024xi32, #tpu.memory_space<vmem>>
    %dma_wait3A_370 = arith.constant 0 : i32
    %dma_wait3A_371 = arith.constant 0 : i32
    %dma_wait3A_372 = tpu.memref_slice %arg3[%dma_wait3A_370, %dma_wait3A_371] : memref<1000000x32xf32, #tpu.memory_space<hbm>> -> memref<1000000x32xf32, #tpu.memory_space<hbm>>
    tpu.wait_indirect_dma semaphore(%arg8 : memref<!tpu.dma_semaphore, #tpu.memory_space<semaphore_mem>>) src(%dma_wait3A_372 : memref<1000000x32xf32, #tpu.memory_space<hbm>>) dst(%arg6 : memref<1024x32xf32, #tpu.memory_space<vmem>>)
    %add3A_373 = arith.constant 10240 : i32
    %add3A_374 = arith.addi %mul3A_2, %add3A_373 : i32
    %shift_right_logical3A_375 = arith.constant 14 : i32
    %shift_right_logical3A_376 = arith.shrui %add3A_374, %shift_right_logical3A_375 : i32
    %and3A_377 = arith.constant 16383 : i32
    %and3A_378 = arith.andi %add3A_374, %and3A_377 : i32
    %multiple_of3A_379 = tpu.assume_multiple %and3A_378, 1024 : i32
    %dma_start3A_380 = arith.constant 0 : i32
    %dma_start3A_381 = tpu.memref_slice %arg4[%shift_right_logical3A_376, %multiple_of3A_379, %dma_start3A_380] : memref<26x16384x32xf32, #tpu.memory_space<hbm>> -> memref<1x1024x32xf32, #tpu.memory_space<hbm>>
    %dma_start3A_382 = tpu.memref_squeeze %dma_start3A_381 : memref<1x1024x32xf32, #tpu.memory_space<hbm>> -> memref<1024x32xf32, #tpu.memory_space<hbm>>
    %dma_start3A_383 = arith.constant 0 : i32
    %dma_start3A_384 = tpu.memref_slice %arg4[%shift_right_logical3A_376, %multiple_of3A_379, %dma_start3A_383] : memref<26x16384x32xf32, #tpu.memory_space<hbm>> -> memref<1x1024x32xf32, #tpu.memory_space<hbm>>
    %dma_start3A_385 = tpu.memref_squeeze %dma_start3A_384 : memref<1x1024x32xf32, #tpu.memory_space<hbm>> -> memref<1024x32xf32, #tpu.memory_space<hbm>>
    tpu.enqueue_dma source(%arg6 : memref<1024x32xf32, #tpu.memory_space<vmem>>) target(%dma_start3A_385 : memref<1024x32xf32, #tpu.memory_space<hbm>>) target_semaphore(%arg10 : memref<!tpu.dma_semaphore, #tpu.memory_space<semaphore_mem>>)
    %add3A_386 = arith.constant 10240 : i32
    %add3A_387 = arith.addi %mul3A_2, %add3A_386 : i32
    %shift_right_logical3A_388 = arith.constant 14 : i32
    %shift_right_logical3A_389 = arith.shrui %add3A_387, %shift_right_logical3A_388 : i32
    %and3A_390 = arith.constant 16383 : i32
    %and3A_391 = arith.andi %add3A_387, %and3A_390 : i32
    %multiple_of3A_392 = tpu.assume_multiple %and3A_391, 1024 : i32
    %dma_wait3A_393 = arith.constant 0 : i32
    %dma_wait3A_394 = tpu.memref_slice %arg4[%shift_right_logical3A_389, %multiple_of3A_392, %dma_wait3A_393] : memref<26x16384x32xf32, #tpu.memory_space<hbm>> -> memref<1x1024x32xf32, #tpu.memory_space<hbm>>
    %dma_wait3A_395 = tpu.memref_squeeze %dma_wait3A_394 : memref<1x1024x32xf32, #tpu.memory_space<hbm>> -> memref<1024x32xf32, #tpu.memory_space<hbm>>
    %dma_wait3A_396 = arith.constant 0 : i32
    %dma_wait3A_397 = tpu.memref_slice %arg4[%shift_right_logical3A_389, %multiple_of3A_392, %dma_wait3A_396] : memref<26x16384x32xf32, #tpu.memory_space<hbm>> -> memref<1x1024x32xf32, #tpu.memory_space<hbm>>
    %dma_wait3A_398 = tpu.memref_squeeze %dma_wait3A_397 : memref<1x1024x32xf32, #tpu.memory_space<hbm>> -> memref<1024x32xf32, #tpu.memory_space<hbm>>
    tpu.wait_dma2 semaphore(%arg10 : memref<!tpu.dma_semaphore, #tpu.memory_space<semaphore_mem>>) src(%arg6 : memref<1024x32xf32, #tpu.memory_space<vmem>>) dst(%dma_wait3A_398 : memref<1024x32xf32, #tpu.memory_space<hbm>>)
    %dma_start3A_399 = arith.constant 12288 : i32
    %dma_start3A_400 = tpu.memref_slice %arg5[%dma_start3A_399] : memref<13312xi32, #tpu.memory_space<vmem>> -> memref<1024xi32, #tpu.memory_space<vmem>>
    %dma_start3A_401 = arith.constant 0 : i32
    %dma_start3A_402 = arith.constant 0 : i32
    %dma_start3A_403 = tpu.memref_slice %arg3[%dma_start3A_401, %dma_start3A_402] : memref<1000000x32xf32, #tpu.memory_space<hbm>> -> memref<1000000x32xf32, #tpu.memory_space<hbm>>
    tpu.enqueue_indirect_dma source(%dma_start3A_403 : memref<1000000x32xf32, #tpu.memory_space<hbm>>) target(%arg6 : memref<1024x32xf32, #tpu.memory_space<vmem>>) offsets(%dma_start3A_400 : memref<1024xi32, #tpu.memory_space<vmem>>) semaphore(%arg8 : memref<!tpu.dma_semaphore, #tpu.memory_space<semaphore_mem>>)
    %dma_wait3A_404 = arith.constant 11264 : i32
    %dma_wait3A_405 = tpu.memref_slice %arg5[%dma_wait3A_404] : memref<13312xi32, #tpu.memory_space<vmem>> -> memref<1024xi32, #tpu.memory_space<vmem>>
    %dma_wait3A_406 = arith.constant 0 : i32
    %dma_wait3A_407 = arith.constant 0 : i32
    %dma_wait3A_408 = tpu.memref_slice %arg3[%dma_wait3A_406, %dma_wait3A_407] : memref<1000000x32xf32, #tpu.memory_space<hbm>> -> memref<1000000x32xf32, #tpu.memory_space<hbm>>
    tpu.wait_indirect_dma semaphore(%arg9 : memref<!tpu.dma_semaphore, #tpu.memory_space<semaphore_mem>>) src(%dma_wait3A_408 : memref<1000000x32xf32, #tpu.memory_space<hbm>>) dst(%arg7 : memref<1024x32xf32, #tpu.memory_space<vmem>>)
    %add3A_409 = arith.constant 11264 : i32
    %add3A_410 = arith.addi %mul3A_2, %add3A_409 : i32
    %shift_right_logical3A_411 = arith.constant 14 : i32
    %shift_right_logical3A_412 = arith.shrui %add3A_410, %shift_right_logical3A_411 : i32
    %and3A_413 = arith.constant 16383 : i32
    %and3A_414 = arith.andi %add3A_410, %and3A_413 : i32
    %multiple_of3A_415 = tpu.assume_multiple %and3A_414, 1024 : i32
    %dma_start3A_416 = arith.constant 0 : i32
    %dma_start3A_417 = tpu.memref_slice %arg4[%shift_right_logical3A_412, %multiple_of3A_415, %dma_start3A_416] : memref<26x16384x32xf32, #tpu.memory_space<hbm>> -> memref<1x1024x32xf32, #tpu.memory_space<hbm>>
    %dma_start3A_418 = tpu.memref_squeeze %dma_start3A_417 : memref<1x1024x32xf32, #tpu.memory_space<hbm>> -> memref<1024x32xf32, #tpu.memory_space<hbm>>
    %dma_start3A_419 = arith.constant 0 : i32
    %dma_start3A_420 = tpu.memref_slice %arg4[%shift_right_logical3A_412, %multiple_of3A_415, %dma_start3A_419] : memref<26x16384x32xf32, #tpu.memory_space<hbm>> -> memref<1x1024x32xf32, #tpu.memory_space<hbm>>
    %dma_start3A_421 = tpu.memref_squeeze %dma_start3A_420 : memref<1x1024x32xf32, #tpu.memory_space<hbm>> -> memref<1024x32xf32, #tpu.memory_space<hbm>>
    tpu.enqueue_dma source(%arg7 : memref<1024x32xf32, #tpu.memory_space<vmem>>) target(%dma_start3A_421 : memref<1024x32xf32, #tpu.memory_space<hbm>>) target_semaphore(%arg11 : memref<!tpu.dma_semaphore, #tpu.memory_space<semaphore_mem>>)
    %dma_wait3A_422 = arith.constant 12288 : i32
    %dma_wait3A_423 = tpu.memref_slice %arg5[%dma_wait3A_422] : memref<13312xi32, #tpu.memory_space<vmem>> -> memref<1024xi32, #tpu.memory_space<vmem>>
    %dma_wait3A_424 = arith.constant 0 : i32
    %dma_wait3A_425 = arith.constant 0 : i32
    %dma_wait3A_426 = tpu.memref_slice %arg3[%dma_wait3A_424, %dma_wait3A_425] : memref<1000000x32xf32, #tpu.memory_space<hbm>> -> memref<1000000x32xf32, #tpu.memory_space<hbm>>
    tpu.wait_indirect_dma semaphore(%arg8 : memref<!tpu.dma_semaphore, #tpu.memory_space<semaphore_mem>>) src(%dma_wait3A_426 : memref<1000000x32xf32, #tpu.memory_space<hbm>>) dst(%arg6 : memref<1024x32xf32, #tpu.memory_space<vmem>>)
    %add3A_427 = arith.constant 12288 : i32
    %add3A_428 = arith.addi %mul3A_2, %add3A_427 : i32
    %shift_right_logical3A_429 = arith.constant 14 : i32
    %shift_right_logical3A_430 = arith.shrui %add3A_428, %shift_right_logical3A_429 : i32
    %and3A_431 = arith.constant 16383 : i32
    %and3A_432 = arith.andi %add3A_428, %and3A_431 : i32
    %multiple_of3A_433 = tpu.assume_multiple %and3A_432, 1024 : i32
    %dma_start3A_434 = arith.constant 0 : i32
    %dma_start3A_435 = tpu.memref_slice %arg4[%shift_right_logical3A_430, %multiple_of3A_433, %dma_start3A_434] : memref<26x16384x32xf32, #tpu.memory_space<hbm>> -> memref<1x1024x32xf32, #tpu.memory_space<hbm>>
    %dma_start3A_436 = tpu.memref_squeeze %dma_start3A_435 : memref<1x1024x32xf32, #tpu.memory_space<hbm>> -> memref<1024x32xf32, #tpu.memory_space<hbm>>
    %dma_start3A_437 = arith.constant 0 : i32
    %dma_start3A_438 = tpu.memref_slice %arg4[%shift_right_logical3A_430, %multiple_of3A_433, %dma_start3A_437] : memref<26x16384x32xf32, #tpu.memory_space<hbm>> -> memref<1x1024x32xf32, #tpu.memory_space<hbm>>
    %dma_start3A_439 = tpu.memref_squeeze %dma_start3A_438 : memref<1x1024x32xf32, #tpu.memory_space<hbm>> -> memref<1024x32xf32, #tpu.memory_space<hbm>>
    tpu.enqueue_dma source(%arg6 : memref<1024x32xf32, #tpu.memory_space<vmem>>) target(%dma_start3A_439 : memref<1024x32xf32, #tpu.memory_space<hbm>>) target_semaphore(%arg10 : memref<!tpu.dma_semaphore, #tpu.memory_space<semaphore_mem>>)
    %add3A_440 = arith.constant 12288 : i32
    %add3A_441 = arith.addi %mul3A_2, %add3A_440 : i32
    %shift_right_logical3A_442 = arith.constant 14 : i32
    %shift_right_logical3A_443 = arith.shrui %add3A_441, %shift_right_logical3A_442 : i32
    %and3A_444 = arith.constant 16383 : i32
    %and3A_445 = arith.andi %add3A_441, %and3A_444 : i32
    %multiple_of3A_446 = tpu.assume_multiple %and3A_445, 1024 : i32
    %dma_wait3A_447 = arith.constant 0 : i32
    %dma_wait3A_448 = tpu.memref_slice %arg4[%shift_right_logical3A_443, %multiple_of3A_446, %dma_wait3A_447] : memref<26x16384x32xf32, #tpu.memory_space<hbm>> -> memref<1x1024x32xf32, #tpu.memory_space<hbm>>
    %dma_wait3A_449 = tpu.memref_squeeze %dma_wait3A_448 : memref<1x1024x32xf32, #tpu.memory_space<hbm>> -> memref<1024x32xf32, #tpu.memory_space<hbm>>
    %dma_wait3A_450 = arith.constant 0 : i32
    %dma_wait3A_451 = tpu.memref_slice %arg4[%shift_right_logical3A_443, %multiple_of3A_446, %dma_wait3A_450] : memref<26x16384x32xf32, #tpu.memory_space<hbm>> -> memref<1x1024x32xf32, #tpu.memory_space<hbm>>
    %dma_wait3A_452 = tpu.memref_squeeze %dma_wait3A_451 : memref<1x1024x32xf32, #tpu.memory_space<hbm>> -> memref<1024x32xf32, #tpu.memory_space<hbm>>
    tpu.wait_dma2 semaphore(%arg10 : memref<!tpu.dma_semaphore, #tpu.memory_space<semaphore_mem>>) src(%arg6 : memref<1024x32xf32, #tpu.memory_space<vmem>>) dst(%dma_wait3A_452 : memref<1024x32xf32, #tpu.memory_space<hbm>>)
    %add3A_453 = arith.constant 11264 : i32
    %add3A_454 = arith.addi %mul3A_2, %add3A_453 : i32
    %shift_right_logical3A_455 = arith.constant 14 : i32
    %shift_right_logical3A_456 = arith.shrui %add3A_454, %shift_right_logical3A_455 : i32
    %and3A_457 = arith.constant 16383 : i32
    %and3A_458 = arith.andi %add3A_454, %and3A_457 : i32
    %multiple_of3A_459 = tpu.assume_multiple %and3A_458, 1024 : i32
    %dma_wait3A_460 = arith.constant 0 : i32
    %dma_wait3A_461 = tpu.memref_slice %arg4[%shift_right_logical3A_456, %multiple_of3A_459, %dma_wait3A_460] : memref<26x16384x32xf32, #tpu.memory_space<hbm>> -> memref<1x1024x32xf32, #tpu.memory_space<hbm>>
    %dma_wait3A_462 = tpu.memref_squeeze %dma_wait3A_461 : memref<1x1024x32xf32, #tpu.memory_space<hbm>> -> memref<1024x32xf32, #tpu.memory_space<hbm>>
    %dma_wait3A_463 = arith.constant 0 : i32
    %dma_wait3A_464 = tpu.memref_slice %arg4[%shift_right_logical3A_456, %multiple_of3A_459, %dma_wait3A_463] : memref<26x16384x32xf32, #tpu.memory_space<hbm>> -> memref<1x1024x32xf32, #tpu.memory_space<hbm>>
    %dma_wait3A_465 = tpu.memref_squeeze %dma_wait3A_464 : memref<1x1024x32xf32, #tpu.memory_space<hbm>> -> memref<1024x32xf32, #tpu.memory_space<hbm>>
    tpu.wait_dma2 semaphore(%arg11 : memref<!tpu.dma_semaphore, #tpu.memory_space<semaphore_mem>>) src(%arg7 : memref<1024x32xf32, #tpu.memory_space<vmem>>) dst(%dma_wait3A_465 : memref<1024x32xf32, #tpu.memory_space<hbm>>)
    return
  }
}

</mosaic_0001>

<sc_bundles>
// kernel: _gather_call.3.cloned.1.call-start
scs
__scs_entry_jumppad:
0x0: {  	(pc) =	sbr.rel $0x88, $3  }
0x1: {  	(tag) =	ssettag $0x0;
	lr =	simm.s32 $0x1  }
0x2: {  	[smem:$0x3F9F] =	sst lr;
	_ =	strace $0xD0000000  }
0x3: {  	_ = 	snop  }
0x4: {  	_ = 	snop  }
0x5: {  	_ = 	snop  }
0x6: {  	_ = 	snop  }
0x7: {  	_ = 	snop  }
__scs_overlays_trampoline_lowered:
0x8: {  	[smem:$0x3FAE] =	sst s0  }
0x9: {  	[smem:$0x3FAF] =	sst s1  }
0xa: {  	[smem:$0x3FB0] =	sst s2  }
0xb: {  	[smem:$0x3FB1] =	sst s3  }
0xc: {  	[smem:$0x3FB2] =	sst s4  }
0xd: {  	[smem:$0x3FB3] =	sst s5  }
0xe: {  	[smem:$0x3FB4] =	sst s6  }
0xf: {  	[smem:$0x3FB5] =	sst s7  }
0x10: {  	[smem:$0x3FB6] =	sst s8  }
0x11: {  	[smem:$0x3FB7] =	sst s9;
	s0 =	simm.s32 @!p0 $0x0  }
0x12: {  	s1 =	sld [smem:$0x3F9D];
	s0 =	simm.s32 @p0 $0x1  }
0x13: {  	[smem:$0x3FB8] =	sst s0;
	s0 =	simm.s32 @!p1 $0x0  }
0x14: {  	s2 =	sld [smem:$0x3F9C];
	s0 =	simm.s32 @p1 $0x1  }
0x15: {  	[smem:$0x3FB9] =	sst s0;
	s0 =	simm.s32 @!p2 $0x0  }
0x16: {  	s3 =	sld [smem:$0x3FDB];
	s0 =	simm.s32 @p2 $0x1  }
0x17: {  	s4 =	simm.s32 $0x1BF5;
	[smem:$0x3FBB] =	sst s0  }
0x18: {  	s0 =	sld [smem:$0x3F9E];
	_ =	swait.ge [sflag:s4], $0x0  }
0x19: {  	s7 =	sld [smem:$0x3F9F]  }
0x1a: {  	s8 =	sadd.s32 $0xFFFFE003, lr  }
0x1b: {  	s9 =	sadd.s32 $0xFFFFFEF7, lr;
	s5 =	simm.s32 $0xFFFFFFFF;
	p2 =	slt.u32 s8, $0xFFFFF086  }
0x1c: {  	p1 =	slt.u32 s9, $0xF7A;
	s5 =	simm.s32 @!p2 $0x0  }
0x1d: {  	s5 =	simm.s32 @p1 $0x1;
	p0 =	seq.s32 s7, s2  }
0x1e: {  	s7 =	smul.u32 @!p0 $0xF7A, s2;
	p2 =	seq.s32 @!p0 s5, $0x0  }
0x1f: {  	s9 =	smul.u32 $0xF7A, s1;
	s8 =	simm.s32 @!p0 $0x1BF5;
	p2 =	por !p2, p0  }
0x20: {  	[sflag:s8] =	ssyncset.s32 @!p0 $0xFFFFF086;
	s6 =	sadd.s32 @!p0 s3, s7;
	s7 =	simm.s32 @!p0 $0x108  }
0x21: {  	s3 =	sadd.s32 s3, s9;
	s6 =	sadd.s32 @!p0 $0x88, s6;
	s7 =	simm.s32 @p2 $0x1082  }
0x22: {  	[simem:s7], [sflag:s8] =	dma.local @!p0 [hbm:s6], $0xF7A  }
0x23: {  	s9 =	sor.u32 $0xD0000000, s2;
	s6 =	simm.s32 $0x108;
	_ =	swait.ge @!p0 [sflag:s8], $0x0  }
0x24: {  	s3 =	sadd.s32 $0x88, s3;
	s6 =	simm.s32 @!p1 $0x1082;
	[sflag:s4] =	ssyncset.s32 $0xFFFFF086  }
0x25: {  	[simem:s6], [sflag:s4] =	dma.local [hbm:s3], $0xF7A  }
0x26: {  	[smem:$0x3F9F] =	sst s1;
	(tag) =	ssettag s2;
	_ =	strace s9  }
0x27: {  	s1 =	sld [smem:$0x3FAF]  }
0x28: {  	s2 =	sld [smem:$0x3FB0]  }
0x29: {  	s4 =	sld [smem:$0x3FB2]  }
0x2a: {  	p0 =	seq.s32 s5, $0x0;
	s5 =	sld [smem:$0x3FB3]  }
0x2b: {  	s6 =	sld [smem:$0x3FB4]  }
0x2c: {  	s7 =	sld [smem:$0x3FB5]  }
0x2d: {  	s3 =	simm.s32 $0x108;
	s8 =	sld [smem:$0x3FB6]  }
0x2e: {  	s3 =	simm.s32 @!p0 $0x1082;
	s9 =	sld [smem:$0x3FB7]  }
0x2f: {  	lr =	sadd.s32 s0, s3;
	s0 =	sld [smem:$0x3FAE]  }
0x30: {  	s3 =	sld [smem:$0x3FB1]  }
0x31: {  	[smem:$0x3FBA] =	sst s10  }
0x32: {  	s10 =	sld [smem:$0x3FB8];
	_ =	sdelay $0x3  }
0x33: {  	p0 =	seq.s32 s10, $0x1;
	s10 =	sld [smem:$0x3FBA];
	_ =	sdelay $0x3  }
0x34: {  	[smem:$0x3FBA] =	sst s10  }
0x35: {  	s10 =	sld [smem:$0x3FB9];
	_ =	sdelay $0x3  }
0x36: {  	p1 =	seq.s32 s10, $0x1;
	s10 =	sld [smem:$0x3FBA];
	_ =	sdelay $0x3  }
0x37: {  	[smem:$0x3FBA] =	sst s10  }
0x38: {  	s10 =	sld [smem:$0x3FBB]  }
0x39: {  	_ = 	snop;
	(pc) =	sbr.ind lr, $3  }
0x3a: {  	_ = 	snop  }
0x3b: {  	_ = 	snop  }
0x3c: {  	p2 =	seq.s32 s10, $0x1;
	s10 =	sld [smem:$0x3FBA]  }
0x3d: {  	_ =	shalt  }
0x3e: {  	_ =	shalt  }
0x3f: {  	_ =	shalt  }
0x40: {  	_ =	shalt  }
0x41: {  	_ =	shalt  }
0x42: {  	_ =	shalt  }
0x43: {  	_ =	shalt  }
0x44: {  	_ =	shalt  }
0x45: {  	_ =	shalt  }
0x46: {  	_ =	shalt  }
0x47: {  	_ =	shalt  }
0x48: {  	_ =	shalt  }
0x49: {  	_ =	shalt  }
0x4a: {  	_ =	shalt  }
0x4b: {  	_ =	shalt  }
0x4c: {  	_ =	shalt  }
0x4d: {  	_ =	shalt  }
0x4e: {  	_ =	shalt  }
0x4f: {  	_ =	shalt  }
0x50: {  	_ =	shalt  }
0x51: {  	_ =	shalt  }
0x52: {  	_ =	shalt  }
0x53: {  	_ =	shalt  }
0x54: {  	_ =	shalt  }
0x55: {  	_ =	shalt  }
0x56: {  	_ =	shalt  }
0x57: {  	_ =	shalt  }
0x58: {  	_ =	shalt  }
0x59: {  	_ =	shalt  }
0x5a: {  	_ =	shalt  }
0x5b: {  	_ =	shalt  }
0x5c: {  	_ =	shalt  }
0x5d: {  	_ =	shalt  }
0x5e: {  	_ =	shalt  }
0x5f: {  	_ =	shalt  }
0x60: {  	_ =	shalt  }
0x61: {  	_ =	shalt  }
0x62: {  	_ =	shalt  }
0x63: {  	_ =	shalt  }
0x64: {  	_ =	shalt  }
0x65: {  	_ =	shalt  }
0x66: {  	_ =	shalt  }
0x67: {  	_ =	shalt  }
0x68: {  	_ =	shalt  }
0x69: {  	_ =	shalt  }
0x6a: {  	_ =	shalt  }
0x6b: {  	_ =	shalt  }
0x6c: {  	_ =	shalt  }
0x6d: {  	_ =	shalt  }
0x6e: {  	_ =	shalt  }
0x6f: {  	_ =	shalt  }
0x70: {  	_ =	shalt  }
0x71: {  	_ =	shalt  }
0x72: {  	_ =	shalt  }
0x73: {  	_ =	shalt  }
0x74: {  	_ =	shalt  }
0x75: {  	_ =	shalt  }
0x76: {  	_ =	shalt  }
0x77: {  	_ =	shalt  }
0x78: {  	_ =	shalt  }
0x79: {  	_ =	shalt  }
0x7a: {  	_ =	shalt  }
0x7b: {  	_ =	shalt  }
0x7c: {  	_ =	shalt  }
0x7d: {  	_ =	shalt  }
0x7e: {  	_ =	shalt  }
0x7f: {  	_ =	shalt  }
0x80: {  	_ =	shalt  }
0x81: {  	_ =	shalt  }
0x82: {  	_ =	shalt  }
0x83: {  	_ =	shalt  }
0x84: {  	_ =	shalt  }
0x85: {  	_ =	shalt  }
0x86: {  	_ =	shalt  }
0x87: {  	_ =	shalt  }
.Lfunc_end0:
.L_simem_size_0:
called_computation.1_lowered:
.L_overlay_start_0:
0x88: {  	s2 =	sld [smem:$0x3FD9]  }
0x89: {  	s3 =	sld [smem:$0x3FFE];
	_ =	sdelay $0x1  }
0x8a: {  	s1 =	srdreg.scid  }
0x8b: {  	s0 =	sand.u32 $0x1, s1  }
0x8c: {  	s17 =	sshll.u32 s0, $0xA;
	s2 =	sadd.s32 s3, s2  }
0x8d: {  	s2 =	sadd.s32 s2, s17  }
0x8e: {  	[smem:$0x3FC6] =	sst s2  }
0x8f: {  	_ = 	snop  }
0x90: {  	s2 =	sld [smem:$0x3FC9]  }
0x91: {  	s18 =	sld [smem:$0x3FD0];
	(tm) =	ssettm $0x1  }
0x92: {  	s4 =	sld [smem:$0x3FFB];
	_ =	sdelay $0x3  }
0x93: {  	_ =	strace s4  }
0x94: {  	s4 =	sld [smem:$0x3FFC];
	_ =	sdelay $0x3  }
0x95: {  	_ =	strace s4  }
0x96: {  	s4 =	sld [smem:$0x3FFD];
	_ =	sdelay $0x3  }
0x97: {  	_ =	strace s4  }
0x98: {  	_ =	strace $0x8FFFFFFF  }
0x99: {  	s19 =	sld [smem:$0x3FDB];
	_ =	sdelay $0x1  }
0x9a: {  	s5 =	simm.s32 $_scs_section_size  }
0x9b: {  	s6 =	simm.s32 $_size__tile_overlayer_lowered;
	s7 =	simm.s32 $_tile_overlayer_lowered  }
0x9c: {  	s22 =	simm.s32 $0x1BFF;
	s21 =	sshll.u32 s7, $0x1;
	s4 =	sadd.s32 s5, s19  }
0x9d: {  	s8 =	simm.s32 $0x0;
	s20 =	sshll.u32 s6, $0x1;
	s6 =	sadd.s32 s21, s4  }
0x9e: {  	[timem:s8], [sflag:s22] =	dma.local [hbm:s6], s20  }
0x9f: {  	_ =	swait.ge [sflag:s22], s20  }
0xa0: {  	s5 =	ssub.s32 $0x0, s20;
	[sflag:s22] =	ssyncset.done $0x0  }
0xa1: {  	[sflag:s22] =	ssyncadd.s32 s5;
	_ =	sdelay $0x1  }
0xa2: {  	s23 =	simm.s32 $0x1B8B  }
0xa3: {  	_ =	swait.ge [sflag:s23], $0x1  }
0xa4: {  	[sflag:s23] =	ssyncset.done $0x0  }
0xa5: {  	s25 =	simm.s32 $0x1B8E;
	s24 =	sld [smem:$0x3FFE];
	[sflag:s23] =	ssyncadd.s32 $0xFFFFFFFF  }
0xa6: {  	s26 =	simm.s32 $execute0_lowered;
	[smem:$0x3FD2] =	sst s25  }
0xa7: {  	s6 =	sshll.u32 s26, $0x1;
	_ =	strace $0x80000046;
	[dreg:$0x1] =	wrdreg $0xFFFFFFFF  }
0xa8: {  	s28 =	simm.s32 $_size_execute0_lowered;
	s4 =	sadd.s32 s4, s6;
	[dreg:$0x0] =	wrdreg $0x0  }
0xa9: {  	s6 =	sshll.u32 s28, $0x1;
	[dreg:$0x2] =	wrdreg s4  }
0xaa: {  	[dreg:$0x3] =	wrdreg s6  }
0xab: {  	[dreg:$0x4] =	wrdreg $0xC0  }
0xac: {  	_ =	task [dreg:s8], $0x5FFFF  }
0xad: {  	[dreg:$0x1] =	wrdreg $0xFFFFFFFF  }
0xae: {  	[dreg:$0x0] =	wrdreg $0x60  }
0xaf: {  	[dreg:$0x2] =	wrdreg s2  }
0xb0: {  	[dreg:$0x3] =	wrdreg s24  }
0xb1: {  	[dreg:$0x4] =	wrdreg s18  }
0xb2: {  	[dreg:$0x5] =	wrdreg $0x9  }
0xb3: {  	_ =	task.clear_ibuf [dreg:s8], $0x6FFFF;
	_ =	strace $0x90000046  }
0xb4: {  	s29 =	simm.s32 $0x9;
	_ =	strace $0x80000048  }
0xb5: {  	_ =	swait.ge [sflag:s29], $0x1  }
0xb6: {  	[sflag:s29] =	ssyncadd.s32 $0xFFFFFFFF  }
0xb7: {  	_ =	strace $0x90000048  }
0xb8: {  	_ =	sfence  }
0xb9: {  	s30 =	sld [smem:$0x0];
	_ =	sdelay $0x2  }
0xba: {  	s31 =	sshll.u32 s1, $0xD;
	s1 =	sshrl.u32 s1, $0x2  }
0xbb: {  	s3 =	sand.u32 $0x4000, s31;
	s1 =	sadd.s32 s1, s30  }
0xbc: {  	s0 =	sor.u32 s3, s0;
	s1 =	sshll.u32 s1, $0x11  }
0xbd: {  	s0 =	sor.u32 s1, s0  }
0xbe: {  	s0 =	sadd.s32 $0x8F2B, s0  }
0xbf: {  	[sflag:s0] =	ssyncadd.remote.s32 $0x1  }
0xc0: {  	_ =	sfence.sel $0xFFFF  }
0xc1: {  	[dreg:$0x0] =	wrdreg $0xFFFFFFFF;
	(pc) =	sbr.abs _section_cstart, $3  }
0xc2: {  	[dreg:$0x1] =	wrdreg $0xFFFFFFFF  }
0xc3: {  	_ =	task.clear_ibuf [dreg:s8], $0x2FFFF;
	_ =	strace $0x9FFFFFFF  }
0xc4: {  	(tm) =	ssettm $0x7FFFFFFF  }
0xc5: {  	_ =	shalt  }
tec
execute0_lowered:
.L_overlay_start_1:
0x0: {  	(tag) =	ssettag $0x1  }
0x1: {  	s1 =	srdreg.scid;
	s0 =	stileid.u32  }
0x2: {  	s1 =	sand.u32 $0x1, s1;
	s2 =	sshll.u32 s0, $0x1  }
0x3: {  	s5 =	sor.u32 s1, s2  }
0x4: {  	s3 =	rddreg [dreg:$0x0];
	s7 =	smul.u32 $0x680, s5  }
0x5: {  	s4 =	rddreg [dreg:$0x1];
	s2 =	simm.s32 $0x0;
	s8 =	smul.u32 $0x68000, s5  }
0x6: {  	[smem:$0x7FF] =	sst s2;
	s5 =	smul.u32 $0xD000, s5  }
0x7: {  	s6 =	rddreg [dreg:$0x2];
	_ =	strace $0x80000047;
	s3 =	sadd.s32 s3, s7  }
0x8: {  	s20 =	sshrl.u32 s8, $0x3;
	s21 =	sadd.s32 s6, s5;
	[dreg:$0x4] =	wrdreg s3  }
0x9: {  	s31 =	sadd.s32 s6, s20;
	[dreg:$0x5] =	wrdreg s21  }
0xa: {  	s22 =	sadd.s32 $0x1000, s31;
	s25 =	rddreg [dreg:$0x4]  }
0xb: {  	s23 =	sadd.s32 $0x2000, s31;
	[dreg:$0x6] =	wrdreg s22  }
0xc: {  	s24 =	sadd.s32 $0x3000, s31;
	[dreg:$0x7] =	wrdreg s23  }
0xd: {  	s26 =	sadd.s32 $0x4000, s31;
	[dreg:$0x8] =	wrdreg s24  }
0xe: {  	s3 =	simm.s32 $0x5;
	[dreg:$0x9] =	wrdreg s26  }
0xf: {  	[tilespmem:s2], [sflag:$0x5] =	stream.linear.gather [hbm4b:s25+s2], $0x3400, $0x38;
	[tilespmem:$0x13400] =	vst v63  }
0x10: {  	_ =	swait.ge [sflag:s3], $0x3400  }
0x11: {  	s4 =	sadd.s32 $0xF42C00, s4;
	[sflag:s3] =	ssyncset.done $0x0  }
0x12: {  	s5 =	simm.s32 $0x400;
	s6 =	simm.s32 $0x3400;
	[sflag:s3] =	ssyncadd.s32 $0xFFFFCC00  }
0x13: {  	[tilespmem:s6], [sflag:$0x1] =	stream.indirect.gather [hbm4b:s4+s5], $0x20, s2, s5, $0xb8;
	[tilespmem:$0x13400] =	vst v63  }
0x14: {  	s7 =	simm.s32 $0xB400;
	s8 =	simm.s32 $0x1  }
0x15: {  	[tilespmem:s7], [sflag:$0x2] =	stream.indirect.gather [hbm4b:s4+s5], $0x20, s5, s5, $0xb8;
	[tilespmem:$0x13400] =	vst v63  }
0x16: {  	_ =	swait.ge [sflag:s8], $0x8000  }
0x17: {  	[sflag:s8] =	ssyncset.done $0x0  }
0x18: {  	s9 =	simm.s32 $0x3;
	s10 =	rddreg [dreg:$0x5];
	[sflag:s8] =	ssyncadd.s32 $0xFFFF8000  }
0x19: {  	[hbm4b:s10+s2] =	stream.linear.scatter [tilespmem:s6], [sflag:$0x3], $0x8000, $0x38;
	[tilespmem:$0x13400] =	vst v63  }
0x1a: {  	_ =	swait.ge [sflag:s9], $0x8000  }
0x1b: {  	[sflag:s9] =	ssyncset.done $0x0  }
0x1c: {  	s11 =	simm.s32 $0x2;
	s10 =	simm.s32 $0x800;
	[sflag:s9] =	ssyncadd.s32 $0xFFFF8000  }
0x1d: {  	[tilespmem:s6], [sflag:$0x1] =	stream.indirect.gather [hbm4b:s4+s5], $0x20, s10, s5, $0xb8;
	[tilespmem:$0x13400] =	vst v63  }
0x1e: {  	_ =	swait.ge [sflag:s11], $0x8000  }
0x1f: {  	[sflag:s11] =	ssyncset.done $0x0  }
0x20: {  	s12 =	simm.s32 $0x4;
	s13 =	rddreg [dreg:$0x6];
	[sflag:s11] =	ssyncadd.s32 $0xFFFF8000  }
0x21: {  	[hbm4b:s13+s2] =	stream.linear.scatter [tilespmem:s7], [sflag:$0x4], $0x8000, $0x38;
	[tilespmem:$0x13400] =	vst v63  }
0x22: {  	_ =	swait.ge [sflag:s12], $0x8000  }
0x23: {  	[sflag:s12] =	ssyncset.done $0x0  }
0x24: {  	s13 =	simm.s32 $0xC00;
	[sflag:s12] =	ssyncadd.s32 $0xFFFF8000  }
0x25: {  	[tilespmem:s7], [sflag:$0x2] =	stream.indirect.gather [hbm4b:s4+s5], $0x20, s13, s5, $0xb8;
	[tilespmem:$0x13400] =	vst v63  }
0x26: {  	_ =	swait.ge [sflag:s8], $0x8000  }
0x27: {  	[sflag:s8] =	ssyncset.done $0x0  }
0x28: {  	s14 =	rddreg [dreg:$0x7];
	[sflag:s8] =	ssyncadd.s32 $0xFFFF8000  }
0x29: {  	[hbm4b:s14+s2] =	stream.linear.scatter [tilespmem:s6], [sflag:$0x3], $0x8000, $0x38;
	[tilespmem:$0x13400] =	vst v63  }
0x2a: {  	_ =	swait.ge [sflag:s9], $0x8000  }
0x2b: {  	[sflag:s9] =	ssyncset.done $0x0  }
0x2c: {  	s14 =	simm.s32 $0x1000;
	[sflag:s9] =	ssyncadd.s32 $0xFFFF8000  }
0x2d: {  	[tilespmem:s6], [sflag:$0x1] =	stream.indirect.gather [hbm4b:s4+s5], $0x20, s14, s5, $0xb8;
	[tilespmem:$0x13400] =	vst v63  }
0x2e: {  	_ =	swait.ge [sflag:s11], $0x8000  }
0x2f: {  	[sflag:s11] =	ssyncset.done $0x0  }
0x30: {  	s15 =	rddreg [dreg:$0x8];
	[sflag:s11] =	ssyncadd.s32 $0xFFFF8000  }
0x31: {  	[hbm4b:s15+s2] =	stream.linear.scatter [tilespmem:s7], [sflag:$0x4], $0x8000, $0x38;
	[tilespmem:$0x13400] =	vst v63  }
0x32: {  	_ =	swait.ge [sflag:s12], $0x8000  }
0x33: {  	[sflag:s12] =	ssyncset.done $0x0  }
0x34: {  	s15 =	simm.s32 $0x1400;
	[sflag:s12] =	ssyncadd.s32 $0xFFFF8000  }
0x35: {  	[tilespmem:s7], [sflag:$0x2] =	stream.indirect.gather [hbm4b:s4+s5], $0x20, s15, s5, $0xb8;
	[tilespmem:$0x13400] =	vst v63  }
0x36: {  	_ =	swait.ge [sflag:s8], $0x8000  }
0x37: {  	[sflag:s8] =	ssyncset.done $0x0  }
0x38: {  	s16 =	rddreg [dreg:$0x9];
	[sflag:s8] =	ssyncadd.s32 $0xFFFF8000  }
0x39: {  	[hbm4b:s16+s2] =	stream.linear.scatter [tilespmem:s6], [sflag:$0x3], $0x8000, $0x38;
	[tilespmem:$0x13400] =	vst v63  }
0x3a: {  	_ =	swait.ge [sflag:s9], $0x8000  }
0x3b: {  	[sflag:s9] =	ssyncset.done $0x0  }
0x3c: {  	s16 =	simm.s32 $0x1800;
	[sflag:s9] =	ssyncadd.s32 $0xFFFF8000  }
0x3d: {  	[tilespmem:s6], [sflag:$0x1] =	stream.indirect.gather [hbm4b:s4+s5], $0x20, s16, s5, $0xb8;
	[tilespmem:$0x13400] =	vst v63  }
0x3e: {  	_ =	swait.ge [sflag:s11], $0x8000  }
0x3f: {  	[sflag:s11] =	ssyncset.done $0x0  }
0x40: {  	s17 =	sadd.s32 $0x5000, s31;
	[sflag:s11] =	ssyncadd.s32 $0xFFFF8000  }
0x41: {  	[hbm4b:s17+s2] =	stream.linear.scatter [tilespmem:s7], [sflag:$0x4], $0x8000, $0x38;
	[tilespmem:$0x13400] =	vst v63  }
0x42: {  	_ =	swait.ge [sflag:s12], $0x8000  }
0x43: {  	[sflag:s12] =	ssyncset.done $0x0  }
0x44: {  	s18 =	simm.s32 $0x1C00;
	[sflag:s12] =	ssyncadd.s32 $0xFFFF8000  }
0x45: {  	[tilespmem:s7], [sflag:$0x2] =	stream.indirect.gather [hbm4b:s4+s5], $0x20, s18, s5, $0xb8;
	[tilespmem:$0x13400] =	vst v63  }
0x46: {  	_ =	swait.ge [sflag:s8], $0x8000  }
0x47: {  	[sflag:s8] =	ssyncset.done $0x0  }
0x48: {  	s19 =	sadd.s32 $0x6000, s31;
	[sflag:s8] =	ssyncadd.s32 $0xFFFF8000  }
0x49: {  	[hbm4b:s19+s2] =	stream.linear.scatter [tilespmem:s6], [sflag:$0x3], $0x8000, $0x38;
	[tilespmem:$0x13400] =	vst v63  }
0x4a: {  	_ =	swait.ge [sflag:s9], $0x8000  }
0x4b: {  	[sflag:s9] =	ssyncset.done $0x0  }
0x4c: {  	s20 =	simm.s32 $0x2000;
	[sflag:s9] =	ssyncadd.s32 $0xFFFF8000  }
0x4d: {  	[tilespmem:s6], [sflag:$0x1] =	stream.indirect.gather [hbm4b:s4+s5], $0x20, s20, s5, $0xb8;
	[tilespmem:$0x13400] =	vst v63  }
0x4e: {  	_ =	swait.ge [sflag:s11], $0x8000  }
0x4f: {  	[sflag:s11] =	ssyncset.done $0x0  }
0x50: {  	s21 =	sadd.s32 $0x7000, s31;
	[sflag:s11] =	ssyncadd.s32 $0xFFFF8000  }
0x51: {  	[hbm4b:s21+s2] =	stream.linear.scatter [tilespmem:s7], [sflag:$0x4], $0x8000, $0x38;
	[tilespmem:$0x13400] =	vst v63  }
0x52: {  	_ =	swait.ge [sflag:s12], $0x8000  }
0x53: {  	[sflag:s12] =	ssyncset.done $0x0  }
0x54: {  	s22 =	simm.s32 $0x2400;
	[sflag:s12] =	ssyncadd.s32 $0xFFFF8000  }
0x55: {  	[tilespmem:s7], [sflag:$0x2] =	stream.indirect.gather [hbm4b:s4+s5], $0x20, s22, s5, $0xb8;
	[tilespmem:$0x13400] =	vst v63  }
0x56: {  	_ =	swait.ge [sflag:s8], $0x8000  }
0x57: {  	[sflag:s8] =	ssyncset.done $0x0  }
0x58: {  	s23 =	sadd.s32 $0x8000, s31;
	[sflag:s8] =	ssyncadd.s32 $0xFFFF8000  }
0x59: {  	[hbm4b:s23+s2] =	stream.linear.scatter [tilespmem:s6], [sflag:$0x3], $0x8000, $0x38;
	[tilespmem:$0x13400] =	vst v63  }
0x5a: {  	_ =	swait.ge [sflag:s9], $0x8000  }
0x5b: {  	[sflag:s9] =	ssyncset.done $0x0  }
0x5c: {  	s24 =	simm.s32 $0x2800;
	[sflag:s9] =	ssyncadd.s32 $0xFFFF8000  }
0x5d: {  	[tilespmem:s6], [sflag:$0x1] =	stream.indirect.gather [hbm4b:s4+s5], $0x20, s24, s5, $0xb8;
	[tilespmem:$0x13400] =	vst v63  }
0x5e: {  	_ =	swait.ge [sflag:s11], $0x8000  }
0x5f: {  	[sflag:s11] =	ssyncset.done $0x0  }
0x60: {  	s25 =	sadd.s32 $0x9000, s31;
	[sflag:s11] =	ssyncadd.s32 $0xFFFF8000  }
0x61: {  	[hbm4b:s25+s2] =	stream.linear.scatter [tilespmem:s7], [sflag:$0x4], $0x8000, $0x38;
	[tilespmem:$0x13400] =	vst v63  }
0x62: {  	_ =	swait.ge [sflag:s12], $0x8000  }
0x63: {  	[sflag:s12] =	ssyncset.done $0x0  }
0x64: {  	s26 =	simm.s32 $0x2C00;
	[sflag:s12] =	ssyncadd.s32 $0xFFFF8000  }
0x65: {  	[tilespmem:s7], [sflag:$0x2] =	stream.indirect.gather [hbm4b:s4+s5], $0x20, s26, s5, $0xb8;
	[tilespmem:$0x13400] =	vst v63  }
0x66: {  	_ =	swait.ge [sflag:s8], $0x8000  }
0x67: {  	[sflag:s8] =	ssyncset.done $0x0  }
0x68: {  	s28 =	sadd.s32 $0xA000, s31;
	[sflag:s8] =	ssyncadd.s32 $0xFFFF8000  }
0x69: {  	[hbm4b:s28+s2] =	stream.linear.scatter [tilespmem:s6], [sflag:$0x3], $0x8000, $0x38;
	[tilespmem:$0x13400] =	vst v63  }
0x6a: {  	_ =	swait.ge [sflag:s9], $0x8000  }
0x6b: {  	[sflag:s9] =	ssyncset.done $0x0  }
0x6c: {  	s29 =	simm.s32 $0x3000;
	[sflag:s9] =	ssyncadd.s32 $0xFFFF8000  }
0x6d: {  	[tilespmem:s6], [sflag:$0x1] =	stream.indirect.gather [hbm4b:s4+s5], $0x20, s29, s5, $0xb8;
	[tilespmem:$0x13400] =	vst v63  }
0x6e: {  	_ =	swait.ge [sflag:s11], $0x8000  }
0x6f: {  	s1 =	ssub.s32 $0x2, s1;
	[sflag:s11] =	ssyncset.done $0x0  }
0x70: {  	s0 =	sshrl.u32 s1, $0x1;
	s30 =	sadd.s32 $0xB000, s31;
	[sflag:s11] =	ssyncadd.s32 $0xFFFF8000  }
0x71: {  	[hbm4b:s30+s2] =	stream.linear.scatter [tilespmem:s7], [sflag:$0x4], $0x8000, $0x38;
	[tilespmem:$0x13400] =	vst v63  }
0x72: {  	s0 =	ssub.s32 s1, s0;
	_ =	swait.ge [sflag:s8], $0x8000  }
0x73: {  	s0 =	smax.u32 s0, $0x1;
	[sflag:s8] =	ssyncset.done $0x0  }
0x74: {  	p0 =	sne.s32 s0, $0x1;
	s31 =	sadd.s32 $0xC000, s31;
	[sflag:s8] =	ssyncadd.s32 $0xFFFF8000  }
0x75: {  	[hbm4b:s31+s2] =	stream.linear.scatter [tilespmem:s6], [sflag:$0x3], $0x8000, $0x38;
	[tilespmem:$0x13400] =	vst v63  }
.Ltmp0:
0x76: {  	_ =	swait.ge [sflag:s9], $0x8000;
	(pc) =	sbr.rel @!p0 .LBB2_2-.Ltmp0, $4  }
0x77: {  	[sflag:s9] =	ssyncset.done $0x0  }
0x78: {  	[sflag:s9] =	ssyncadd.s32 $0xFFFF8000  }
0x79: {  	_ =	swait.ge [sflag:s12], $0x8000  }
0x7a: {  	s1 =	sadd.s32 $0xFFFFFFFF, s0;
	[sflag:s12] =	ssyncset.done $0x0  }
.LBB2_1:
0x7b: {  	s0 =	rddreg [dreg:$0x4];
	[sflag:s12] =	ssyncadd.s32 $0xFFFF8000  }
0x7c: {  	[tilespmem:s2], [sflag:$0x5] =	stream.linear.gather [hbm4b:s0+s2], $0x3400, $0x38;
	[tilespmem:$0x13400] =	vst v63  }
0x7d: {  	_ =	swait.ge [sflag:s3], $0x3400  }
0x7e: {  	[sflag:s3] =	ssyncset.done $0x0  }
0x7f: {  	[sflag:s3] =	ssyncadd.s32 $0xFFFFCC00  }
0x80: {  	[tilespmem:s6], [sflag:$0x1] =	stream.indirect.gather [hbm4b:s4+s5], $0x20, s2, s5, $0xb8;
	[tilespmem:$0x13400] =	vst v63  }
0x81: {  	_ = 	snop  }
0x82: {  	[tilespmem:s7], [sflag:$0x2] =	stream.indirect.gather [hbm4b:s4+s5], $0x20, s5, s5, $0xb8;
	[tilespmem:$0x13400] =	vst v63  }
0x83: {  	_ =	swait.ge [sflag:s8], $0x8000  }
0x84: {  	[sflag:s8] =	ssyncset.done $0x0  }
0x85: {  	s0 =	rddreg [dreg:$0x5];
	[sflag:s8] =	ssyncadd.s32 $0xFFFF8000  }
0x86: {  	[hbm4b:s0+s2] =	stream.linear.scatter [tilespmem:s6], [sflag:$0x3], $0x8000, $0x38;
	[tilespmem:$0x13400] =	vst v63  }
0x87: {  	_ =	swait.ge [sflag:s9], $0x8000  }
0x88: {  	[sflag:s9] =	ssyncset.done $0x0  }
0x89: {  	[sflag:s9] =	ssyncadd.s32 $0xFFFF8000  }
0x8a: {  	[tilespmem:s6], [sflag:$0x1] =	stream.indirect.gather [hbm4b:s4+s5], $0x20, s10, s5, $0xb8;
	[tilespmem:$0x13400] =	vst v63  }
0x8b: {  	_ =	swait.ge [sflag:s11], $0x8000  }
0x8c: {  	[sflag:s11] =	ssyncset.done $0x0  }
0x8d: {  	s0 =	rddreg [dreg:$0x6];
	[sflag:s11] =	ssyncadd.s32 $0xFFFF8000  }
0x8e: {  	[hbm4b:s0+s2] =	stream.linear.scatter [tilespmem:s7], [sflag:$0x4], $0x8000, $0x38;
	[tilespmem:$0x13400] =	vst v63  }
0x8f: {  	_ =	swait.ge [sflag:s12], $0x8000  }
0x90: {  	[sflag:s12] =	ssyncset.done $0x0  }
0x91: {  	[sflag:s12] =	ssyncadd.s32 $0xFFFF8000  }
0x92: {  	[tilespmem:s7], [sflag:$0x2] =	stream.indirect.gather [hbm4b:s4+s5], $0x20, s13, s5, $0xb8;
	[tilespmem:$0x13400] =	vst v63  }
0x93: {  	_ =	swait.ge [sflag:s8], $0x8000  }
0x94: {  	[sflag:s8] =	ssyncset.done $0x0  }
0x95: {  	s0 =	rddreg [dreg:$0x7];
	[sflag:s8] =	ssyncadd.s32 $0xFFFF8000  }
0x96: {  	[hbm4b:s0+s2] =	stream.linear.scatter [tilespmem:s6], [sflag:$0x3], $0x8000, $0x38;
	[tilespmem:$0x13400] =	vst v63  }
0x97: {  	_ =	swait.ge [sflag:s9], $0x8000  }
0x98: {  	[sflag:s9] =	ssyncset.done $0x0  }
0x99: {  	[sflag:s9] =	ssyncadd.s32 $0xFFFF8000  }
0x9a: {  	[tilespmem:s6], [sflag:$0x1] =	stream.indirect.gather [hbm4b:s4+s5], $0x20, s14, s5, $0xb8;
	[tilespmem:$0x13400] =	vst v63  }
0x9b: {  	_ =	swait.ge [sflag:s11], $0x8000  }
0x9c: {  	[sflag:s11] =	ssyncset.done $0x0  }
0x9d: {  	s0 =	rddreg [dreg:$0x8];
	[sflag:s11] =	ssyncadd.s32 $0xFFFF8000  }
0x9e: {  	[hbm4b:s0+s2] =	stream.linear.scatter [tilespmem:s7], [sflag:$0x4], $0x8000, $0x38;
	[tilespmem:$0x13400] =	vst v63  }
0x9f: {  	_ =	swait.ge [sflag:s12], $0x8000  }
0xa0: {  	[sflag:s12] =	ssyncset.done $0x0  }
0xa1: {  	[sflag:s12] =	ssyncadd.s32 $0xFFFF8000  }
0xa2: {  	[tilespmem:s7], [sflag:$0x2] =	stream.indirect.gather [hbm4b:s4+s5], $0x20, s15, s5, $0xb8;
	[tilespmem:$0x13400] =	vst v63  }
0xa3: {  	_ =	swait.ge [sflag:s8], $0x8000  }
0xa4: {  	[sflag:s8] =	ssyncset.done $0x0  }
0xa5: {  	s0 =	rddreg [dreg:$0x9];
	[sflag:s8] =	ssyncadd.s32 $0xFFFF8000  }
0xa6: {  	[hbm4b:s0+s2] =	stream.linear.scatter [tilespmem:s6], [sflag:$0x3], $0x8000, $0x38;
	[tilespmem:$0x13400] =	vst v63  }
0xa7: {  	_ =	swait.ge [sflag:s9], $0x8000  }
0xa8: {  	[sflag:s9] =	ssyncset.done $0x0  }
0xa9: {  	[sflag:s9] =	ssyncadd.s32 $0xFFFF8000  }
0xaa: {  	[tilespmem:s6], [sflag:$0x1] =	stream.indirect.gather [hbm4b:s4+s5], $0x20, s16, s5, $0xb8;
	[tilespmem:$0x13400] =	vst v63  }
0xab: {  	_ =	swait.ge [sflag:s11], $0x8000  }
0xac: {  	[sflag:s11] =	ssyncset.done $0x0  }
0xad: {  	[sflag:s11] =	ssyncadd.s32 $0xFFFF8000  }
0xae: {  	[hbm4b:s17+s2] =	stream.linear.scatter [tilespmem:s7], [sflag:$0x4], $0x8000, $0x38;
	[tilespmem:$0x13400] =	vst v63  }
0xaf: {  	_ =	swait.ge [sflag:s12], $0x8000  }
0xb0: {  	[sflag:s12] =	ssyncset.done $0x0  }
0xb1: {  	[sflag:s12] =	ssyncadd.s32 $0xFFFF8000  }
0xb2: {  	[tilespmem:s7], [sflag:$0x2] =	stream.indirect.gather [hbm4b:s4+s5], $0x20, s18, s5, $0xb8;
	[tilespmem:$0x13400] =	vst v63  }
0xb3: {  	_ =	swait.ge [sflag:s8], $0x8000  }
0xb4: {  	[sflag:s8] =	ssyncset.done $0x0  }
0xb5: {  	[sflag:s8] =	ssyncadd.s32 $0xFFFF8000  }
0xb6: {  	[hbm4b:s19+s2] =	stream.linear.scatter [tilespmem:s6], [sflag:$0x3], $0x8000, $0x38;
	[tilespmem:$0x13400] =	vst v63  }
0xb7: {  	_ =	swait.ge [sflag:s9], $0x8000  }
0xb8: {  	[sflag:s9] =	ssyncset.done $0x0  }
0xb9: {  	[sflag:s9] =	ssyncadd.s32 $0xFFFF8000  }
0xba: {  	[tilespmem:s6], [sflag:$0x1] =	stream.indirect.gather [hbm4b:s4+s5], $0x20, s20, s5, $0xb8;
	[tilespmem:$0x13400] =	vst v63  }
0xbb: {  	_ =	swait.ge [sflag:s11], $0x8000  }
0xbc: {  	[sflag:s11] =	ssyncset.done $0x0  }
0xbd: {  	[sflag:s11] =	ssyncadd.s32 $0xFFFF8000  }
0xbe: {  	[hbm4b:s21+s2] =	stream.linear.scatter [tilespmem:s7], [sflag:$0x4], $0x8000, $0x38;
	[tilespmem:$0x13400] =	vst v63  }
0xbf: {  	_ =	swait.ge [sflag:s12], $0x8000  }
0xc0: {  	[sflag:s12] =	ssyncset.done $0x0  }
0xc1: {  	[sflag:s12] =	ssyncadd.s32 $0xFFFF8000  }
0xc2: {  	[tilespmem:s7], [sflag:$0x2] =	stream.indirect.gather [hbm4b:s4+s5], $0x20, s22, s5, $0xb8;
	[tilespmem:$0x13400] =	vst v63  }
0xc3: {  	_ =	swait.ge [sflag:s8], $0x8000  }
0xc4: {  	[sflag:s8] =	ssyncset.done $0x0  }
0xc5: {  	[sflag:s8] =	ssyncadd.s32 $0xFFFF8000  }
0xc6: {  	[hbm4b:s23+s2] =	stream.linear.scatter [tilespmem:s6], [sflag:$0x3], $0x8000, $0x38;
	[tilespmem:$0x13400] =	vst v63  }
0xc7: {  	_ =	swait.ge [sflag:s9], $0x8000  }
0xc8: {  	[sflag:s9] =	ssyncset.done $0x0  }
0xc9: {  	[sflag:s9] =	ssyncadd.s32 $0xFFFF8000  }
0xca: {  	[tilespmem:s6], [sflag:$0x1] =	stream.indirect.gather [hbm4b:s4+s5], $0x20, s24, s5, $0xb8;
	[tilespmem:$0x13400] =	vst v63  }
0xcb: {  	_ =	swait.ge [sflag:s11], $0x8000  }
0xcc: {  	[sflag:s11] =	ssyncset.done $0x0  }
0xcd: {  	[sflag:s11] =	ssyncadd.s32 $0xFFFF8000  }
0xce: {  	[hbm4b:s25+s2] =	stream.linear.scatter [tilespmem:s7], [sflag:$0x4], $0x8000, $0x38;
	[tilespmem:$0x13400] =	vst v63  }
0xcf: {  	_ =	swait.ge [sflag:s12], $0x8000  }
0xd0: {  	[sflag:s12] =	ssyncset.done $0x0  }
0xd1: {  	[sflag:s12] =	ssyncadd.s32 $0xFFFF8000  }
0xd2: {  	[tilespmem:s7], [sflag:$0x2] =	stream.indirect.gather [hbm4b:s4+s5], $0x20, s26, s5, $0xb8;
	[tilespmem:$0x13400] =	vst v63  }
0xd3: {  	_ =	swait.ge [sflag:s8], $0x8000  }
0xd4: {  	[sflag:s8] =	ssyncset.done $0x0  }
0xd5: {  	[sflag:s8] =	ssyncadd.s32 $0xFFFF8000  }
0xd6: {  	[hbm4b:s28+s2] =	stream.linear.scatter [tilespmem:s6], [sflag:$0x3], $0x8000, $0x38;
	[tilespmem:$0x13400] =	vst v63  }
0xd7: {  	_ =	swait.ge [sflag:s9], $0x8000  }
0xd8: {  	[sflag:s9] =	ssyncset.done $0x0  }
0xd9: {  	[sflag:s9] =	ssyncadd.s32 $0xFFFF8000  }
0xda: {  	[tilespmem:s6], [sflag:$0x1] =	stream.indirect.gather [hbm4b:s4+s5], $0x20, s29, s5, $0xb8;
	[tilespmem:$0x13400] =	vst v63  }
0xdb: {  	_ =	swait.ge [sflag:s11], $0x8000  }
0xdc: {  	[sflag:s11] =	ssyncset.done $0x0  }
0xdd: {  	[sflag:s11] =	ssyncadd.s32 $0xFFFF8000  }
0xde: {  	[hbm4b:s30+s2] =	stream.linear.scatter [tilespmem:s7], [sflag:$0x4], $0x8000, $0x38;
	[tilespmem:$0x13400] =	vst v63  }
0xdf: {  	_ =	swait.ge [sflag:s8], $0x8000  }
0xe0: {  	[sflag:s8] =	ssyncset.done $0x0  }
0xe1: {  	p0 =	sne.s32 s1, $0x1;
	[sflag:s8] =	ssyncadd.s32 $0xFFFF8000  }
0xe2: {  	[hbm4b:s31+s2] =	stream.linear.scatter [tilespmem:s6], [sflag:$0x3], $0x8000, $0x38;
	[tilespmem:$0x13400] =	vst v63  }
.Ltmp1:
0xe3: {  	_ =	swait.ge [sflag:s9], $0x8000;
	(pc) =	sbr.rel @p0 .LBB2_1-.Ltmp1, $4  }
0xe4: {  	[sflag:s9] =	ssyncset.done $0x0  }
0xe5: {  	[sflag:s9] =	ssyncadd.s32 $0xFFFF8000  }
0xe6: {  	_ =	swait.ge [sflag:s12], $0x8000  }
0xe7: {  	s1 =	sadd.s32 $0xFFFFFFFF, s1;
	[sflag:s12] =	ssyncset.done $0x0  }
.LBB2_2:
0xe8: {  	[sflag:s12] =	ssyncadd.s32 $0xFFFF8000  }
0xe9: {  	_ =	sfence.sel $0x180000  }
0xea: {  	[bflag:$0x0] =	sbarrier.arrive $0xFFFF  }
0xeb: {  	_ =	strace $0x90000047  }
0xec: {  	s0 =	stileid.u32;
	[bflag:$0x2] =	sbarrier.arrive $0xFFFF  }
0xed: {  	p0 =	sne.s32 s0, $0x0;
	s0 =	rddreg [dreg:$0x3]  }
0xee: {  	s0 =	sadd.s32 @!p0 $0x100000, s0  }
0xef: {  	[sflag:s0] =	ssyncadd.tile.s32 @!p0 $0x1;
	_ =	shalt  }
.Lfunc_end2:
_tile_overlayer_lowered:
.L_overlay_start_2:
0xf0: {  	(tag) =	ssettag $0x2  }
0xf1: {  	s0 =	rddreg [dreg:$0x0];
	s2 =	stileid.u32  }
0xf2: {  	s1 =	rddreg [dreg:$0x1];
	p0 =	sne.s32 s2, $0x0  }
0xf3: {  	s3 =	rddreg [dreg:$0x2];
	[bflag:$0x3] =	sbarrier.arrive $0xFFFF;
	s2 =	simm.s32 @!p0 $0x1C05  }
0xf4: {  	[timem:s3], [sflag:s2] =	dma.local @!p0 [hbm:s0], s1  }
0xf5: {  	s0 =	simm.s32 @!p0 $0x5  }
0xf6: {  	_ =	swait.ge @!p0 [sflag:s0], s1  }
0xf7: {  	s1 =	ssub.s32 @!p0 $0x0, s1;
	[sflag:s0] =	ssyncset.done @!p0 $0x0  }
0xf8: {  	[sflag:s0] =	ssyncadd.s32 @!p0 s1  }
0xf9: {  	[bflag:$0x3] =	sbarrier.arrive $0xFFFF  }
0xfa: {  	_ =	shalt  }

// kernel: sparse-core-data-format-call.cloned.1.call-start
scs
called_computation_lowered:
.L_overlay_start_0:
0x0: {  	s2 =	sld [smem:$0x3FD9]  }
0x1: {  	s3 =	sld [smem:$0x3FFE];
	_ =	sdelay $0x1  }
0x2: {  	s1 =	srdreg.scid  }
0x3: {  	s0 =	sand.u32 $0x1, s1  }
0x4: {  	s18 =	sshll.u32 s0, $0xA;
	s2 =	sadd.s32 s3, s2  }
0x5: {  	s2 =	sadd.s32 s2, s18  }
0x6: {  	[smem:$0x3FC6] =	sst s2  }
0x7: {  	_ = 	snop  }
0x8: {  	s2 =	sld [smem:$0x3FD0];
	(tm) =	ssettm $0x1  }
0x9: {  	s19 =	sld [smem:$0x3FFB];
	_ =	sdelay $0x3  }
0xa: {  	_ =	strace s19  }
0xb: {  	s3 =	sld [smem:$0x3FFC];
	_ =	sdelay $0x3  }
0xc: {  	_ =	strace s3  }
0xd: {  	s3 =	sld [smem:$0x3FFD];
	_ =	sdelay $0x3  }
0xe: {  	_ =	strace s3  }
0xf: {  	_ =	strace $0x8FFFFFFF  }
0x10: {  	s20 =	sld [smem:$0x3FDB];
	_ =	sdelay $0x1  }
0x11: {  	s4 =	simm.s32 $_scs_section_size  }
0x12: {  	s5 =	simm.s32 $_size__tile_overlayer_lowered;
	s6 =	simm.s32 $_tile_overlayer_lowered  }
0x13: {  	s23 =	simm.s32 $0x1BFF;
	s22 =	sshll.u32 s6, $0x1;
	s3 =	sadd.s32 s4, s20  }
0x14: {  	s7 =	simm.s32 $0x0;
	s21 =	sshll.u32 s5, $0x1;
	s5 =	sadd.s32 s22, s3  }
0x15: {  	[timem:s7], [sflag:s23] =	dma.local [hbm:s5], s21  }
0x16: {  	_ =	swait.ge [sflag:s23], s21  }
0x17: {  	s4 =	ssub.s32 $0x0, s21;
	[sflag:s23] =	ssyncset.done $0x0  }
0x18: {  	[sflag:s23] =	ssyncadd.s32 s4;
	_ =	sdelay $0x1  }
0x19: {  	s24 =	simm.s32 $0x1B8B  }
0x1a: {  	_ =	swait.ge [sflag:s24], $0x1  }
0x1b: {  	[sflag:s24] =	ssyncset.done $0x0  }
0x1c: {  	s26 =	simm.s32 $0x1B8E;
	s25 =	sld [smem:$0x3FFE];
	[sflag:s24] =	ssyncadd.s32 $0xFFFFFFFF  }
0x1d: {  	s27 =	simm.s32 $execute0_lowered;
	[smem:$0x3FD2] =	sst s26  }
0x1e: {  	s5 =	sshll.u32 s27, $0x1;
	_ =	strace $0x80000049;
	[dreg:$0x1] =	wrdreg $0xFFFFFFFF  }
0x1f: {  	s28 =	simm.s32 $_size_execute0_lowered;
	s3 =	sadd.s32 s3, s5;
	[dreg:$0x0] =	wrdreg $0x0  }
0x20: {  	s5 =	sshll.u32 s28, $0x1;
	[dreg:$0x2] =	wrdreg s3  }
0x21: {  	[dreg:$0x3] =	wrdreg s5  }
0x22: {  	[dreg:$0x4] =	wrdreg $0xC0  }
0x23: {  	_ =	task [dreg:s7], $0x5FFFF  }
0x24: {  	[dreg:$0x1] =	wrdreg $0xFFFFFFFF  }
0x25: {  	[dreg:$0x0] =	wrdreg $0x60  }
0x26: {  	[dreg:$0x2] =	wrdreg s25  }
0x27: {  	[dreg:$0x3] =	wrdreg s2  }
0x28: {  	[dreg:$0x4] =	wrdreg $0x9  }
0x29: {  	_ =	task.clear_ibuf [dreg:s7], $0x5FFFF;
	_ =	strace $0x90000049  }
0x2a: {  	s29 =	simm.s32 $0x9;
	_ =	strace $0x8000004B  }
0x2b: {  	_ =	swait.ge [sflag:s29], $0x1  }
0x2c: {  	[sflag:s29] =	ssyncadd.s32 $0xFFFFFFFF  }
0x2d: {  	_ =	strace $0x9000004B  }
0x2e: {  	_ =	sfence  }
0x2f: {  	s30 =	sld [smem:$0x0];
	_ =	sdelay $0x2  }
0x30: {  	s31 =	sshll.u32 s1, $0xD;
	s1 =	sshrl.u32 s1, $0x2  }
0x31: {  	s3 =	sand.u32 $0x4000, s31;
	s1 =	sadd.s32 s1, s30  }
0x32: {  	s0 =	sor.u32 s3, s0;
	s1 =	sshll.u32 s1, $0x11  }
0x33: {  	s0 =	sor.u32 s1, s0  }
0x34: {  	s0 =	sadd.s32 $0x8F2B, s0  }
0x35: {  	[sflag:s0] =	ssyncadd.remote.s32 $0x1  }
0x36: {  	_ =	sfence.sel $0xFFFF  }
0x37: {  	[dreg:$0x0] =	wrdreg $0xFFFFFFFF;
	(pc) =	sbr.abs _section_cstart, $3  }
0x38: {  	[dreg:$0x1] =	wrdreg $0xFFFFFFFF  }
0x39: {  	_ =	task.clear_ibuf [dreg:s7], $0x2FFFF;
	_ =	strace $0x9FFFFFFF  }
0x3a: {  	(tm) =	ssettm $0x7FFFFFFF  }
0x3b: {  	_ =	shalt  }
tec
execute0_lowered:
.L_overlay_start_1:
0x0: {  	(tag) =	ssettag $0x1  }
0x1: {  	s0 =	srdreg.scid  }
0x2: {  	s1 =	sshll.u32 s0, $0x4  }
0x3: {  	s0 =	stileid.u32;
	s1 =	sand.u32 $0x10, s1  }
0x4: {  	s7 =	rddreg [dreg:$0x0];
	s1 =	sor.u32 s0, s1  }
0x5: {  	s4 =	simm.s32 $0x1;
	s8 =	simm.s32 $0x2;
	s2 =	sshll.u32 s1, $0x7  }
0x6: {  	s13 =	simm.s32 $0x0;
	s9 =	simm.s32 $0x20000;
	s1 =	ssub.s32 $0x4000, s2  }
0x7: {  	s14 =	simm.s32 $0x0;
	s11 =	simm.s32 $0x0;
	s3 =	sand.u32 $0xF80, s1  }
0x8: {  	s12 =	simm.s32 $0x0;
	s5 =	sshrl.u32 s1, $0xC;
	p0 =	sne.s32 s3, $0x0  }
.Ltmp0:
0x9: {  	s1 =	rddreg [dreg:$0x2];
	s4 =	simm.s32 @!p0 $0x0;
	(pc) =	sbr.rel .LBB1_1-.Ltmp0, $4  }
0xa: {  	s6 =	sadd.s32 $0x800, s7;
	s3 =	rddreg [dreg:$0x1];
	s5 =	sadd.s32 s4, s5  }
0xb: {  	_ =	strace $0x8000004A;
	s4 =	simm.s32 $0x1;
	s5 =	smul.u32 $0xD, s5  }
0xc: {  	s7 =	sadd.s32 $0x40800, s7;
	s10 =	smov.u32 s2;
	[sflag:s4] =	ssyncpa.u1 $0x0  }
0xd: {  	p0 =	por $0x0, $0x0;
	[sflag:s8] =	ssyncpa.u1 $0x0;
	s8 =	sadd.s32 $0x1, s5  }
.LBB1_7:
0xe: {  	s15 =	sadd.s32 $0x1000, s10  }
0xf: {  	s13 =	sadd.s32 $0x2, s11;
	s17 =	smov.u32 s11;
	p2 =	sgt.s32 s15, $0x3FFF  }
0x10: {  	s17 =	smov.u32 @p2 s13  }
0x11: {  	s15 =	smov.u32 @p2 s2;
	p2 =	sgt.s32 s17, $0x19  }
0x12: {  	s17 =	simm.s32 @p2 $0x0;
	p2 =	sne.s32 s12, s8  }
.Ltmp1:
0x13: {  	p1 =	slt.u32 s12, $0x2;
	(pc) =	sbr.rel @!p2 .LBB1_8-.Ltmp1, $4  }
0x14: {  	s16 =	simm.s32 @!p1 $0x2  }
0x15: {  	s14 =	smov.u32 s11;
	p0 =	por !p0, !p0;
	_ =	swait.ge @!p1 [sflag:s16], $0x2000  }
0x16: {  	s13 =	smov.u32 s10;
	[sflag:s16] =	ssyncset.done @!p1 $0x0;
	s10 =	smov.u32 s15  }
0x17: {  	s12 =	sadd.s32 $0x1, s12;
	[sflag:s16] =	ssyncadd.s32 @!p1 $0xFFFFE000;
	s11 =	smov.u32 s17  }
.LBB1_1:
0x18: {  	p1 =	sge.u32 s12, s5  }
0x19: {  	s15 =	sxor.u32 @!p1 $0xFFFFFFFF, s12;
	s16 =	sshll.u32 @!p1 s11, $0x12  }
0x1a: {  	s17 =	sshll.u32 @!p1 s10, $0x4;
	s19 =	simm.s32 @!p1 $0x20;
	s20 =	simm.s32 @!p1 $0x80  }
0x1b: {  	s15 =	sshll.u32 @!p1 s15, $0xD;
	s17 =	sand.u32 @!p1 $0x3FFF0, s17;
	s18 =	sadd.s32 @!p1 s6, s16  }
0x1c: {  	s16 =	sadd.s32 @!p1 s16, s7;
	s15 =	sand.u32 @!p1 $0x2000, s15;
	s18 =	sadd.s32 @!p1 s17, s18  }
0x1d: {  	[tilespmem:s15], [sflag:$0x1] =	stream.strided.gather @!p1 [hbm4b:s18+s19], $0x1000, s20, s19, $0x38;
	[tilespmem:$0x8080] =	vst v63  }
0x1e: {  	s31 =	sadd.s32 $0xFFFFFFFF, s12;
	s16 =	sadd.s32 @!p1 s17, s16;
	s15 =	sor.u32 @!p1 $0x1000, s15  }
0x1f: {  	[tilespmem:s15], [sflag:$0x1] =	stream.strided.gather @!p1 [hbm4b:s16+s19], $0x1000, s20, s19, $0x38;
	[tilespmem:$0x8080] =	vst v63  }
0x20: {  	p1 =	sge.u32 s31, s5  }
.Ltmp2:
0x21: {  	_ = 	snop;
	(pc) =	sbr.rel @p1 .LBB1_7-.Ltmp2, $1  }
0x22: {  	_ =	sdelay $0x3  }
0x23: {  	s15 =	simm.s32 $0x1;
	s17 =	sand.u32 $0x1, s12  }
0x24: {  	_ =	swait.ge [sflag:s4], $0x2000;
	s15 =	simm.s32 @!p0 $0x0;
	s17 =	smul.u32 $0x8100, s17  }
0x25: {  	p2 =	por $0x1, $0x1;
	[sflag:s4] =	ssyncset.done $0x0;
	s16 =	smul.u32 $0x8100, s15  }
0x26: {  	s18 =	sshll.u32 s15, $0xF;
	[sflag:s4] =	ssyncadd.s32 $0xFFFFE000;
	s30 =	sshrl.u32 s17, $0x2  }
0x27: {  	s31 =	sshrl.u32 s18, $0x2;
	s18 =	simm.s32 $0x0;
	s16 =	sshrl.u32 s16, $0x2  }
0x28: {  	s15 =	sor.u32 $0x4000, s30;
	s17 =	sadd.s32 $0x10, s31;
	s16 =	sor.u32 $0x4000, s16  }
.LBB1_3:
0x29: {  	s19 =	sshll.u32 s18, $0xC  }
0x2a: {  	s19 =	sand.u32 $0x3FFFF000, s19  }
0x2b: {  	s20 =	sadd.s32 s19, s17  }
0x2c: {  	s31 =	smul.u32 $0x4080, s18;
	v1 =	vld [tilespmem:s20+$0x0]  }
0x2d: {  	v0 =	vld [tilespmem:s20+$0xFFFFFFF0]  }
0x2e: {  	s18 =	sshra.s32 s31, $0x2  }
0x2f: {  	s18 =	sadd.s32 s18, s16  }
0x30: {  	s21 =	sadd.s32 $0x0, s18  }
0x31: {  	p1 =	por p2, p2;
	s19 =	simm.s32 $0x4;
	s20 =	sadd.s32 $0x20, s20;
	[tilespmem:s21+$0x810 ss:$0x81] =	vst.msk $0xffff, v1  }
.LBB1_4:
0x32: {  	v1 =	vld [tilespmem:s20+$0x0];
	p2 =	sne.s32 s19, $0x1FC;
	[tilespmem:s21+$0x0 ss:$0x81] =	vst.msk $0xffff, v0;
	s21 =	smov.u32 s19;
	s19 =	sadd.s32 $0x4, s19  }
.Ltmp3:
0x33: {  	v0 =	vld [tilespmem:s20+$0xFFFFFFF0];
	(pc) =	sbr.rel @p2 .LBB1_4-.Ltmp3, $4  }
0x34: {  	_ = 	snop  }
0x35: {  	s21 =	sshra.s32 s21, $0x2  }
0x36: {  	s21 =	sadd.s32 s21, s18  }
0x37: {  	s20 =	sadd.s32 $0x20, s20;
	[tilespmem:s21+$0x810 ss:$0x81] =	vst.msk $0xffff, v1  }
.Ltmp4:
0x38: {  	(pc) =	sbr.rel @p1 .LBB1_3-.Ltmp4, $2  }
0x39: {  	_ =	sdelay $0x2  }
0x3a: {  	[tilespmem:s21+$0x0 ss:$0x81] =	vst.msk $0xffff, v0;
	s18 =	simm.s32 $0x1;
	p2 =	por $0x0, $0x0  }
0x3b: {  	s16 =	sshll.u32 s13, $0x3;
	s17 =	sand.u32 $0x78, s13;
	s14 =	sshll.u32 s14, $0x10  }
.Ltmp5:
0x3c: {  	s30 =	sand.u32 $0xF800, s13;
	s16 =	sand.u32 $0x3C00, s16;
	(pc) =	sbr.rel .LBB1_7-.Ltmp5, $4  }
0x3d: {  	s31 =	sand.u32 $0x7, s13;
	s14 =	sadd.s32 s3, s14;
	s16 =	sor.u32 s17, s16  }
0x3e: {  	s13 =	sshll.u32 s31, $0x12;
	s14 =	sadd.s32 s30, s14;
	s16 =	sshrl.u32 s16, $0x3  }
0x3f: {  	s13 =	sor.u32 $0x400, s13;
	s14 =	sadd.s32 s16, s14  }
0x40: {  	[hbm4b:s14+s13] =	stream.strided.scatter [tilespmem:s15], [sflag:$0x2], $0x2000, s9, s13, $0x20;
	[tilespmem:$0x8080] =	vst v63  }
.LBB1_8:
0x41: {  	_ =	sfence.sel $0x180000  }
0x42: {  	s2 =	simm.s32 $0x1;
	[bflag:$0x0] =	sbarrier.arrive $0xFFFF  }
0x43: {  	s31 =	simm.s32 $0x2;
	[sflag:s2] =	ssyncpa.u1 $0x1  }
0x44: {  	[sflag:s31] =	ssyncpa.u1 $0x1  }
0x45: {  	p0 =	sne.s32 s0, $0x0;
	_ =	strace $0x9000004A  }
0x46: {  	s0 =	sadd.s32 @!p0 $0x100000, s1;
	[bflag:$0x2] =	sbarrier.arrive $0xFFFF  }
0x47: {  	[sflag:s0] =	ssyncadd.tile.s32 @!p0 $0x1;
	_ =	shalt  }
.Lfunc_end1:
_tile_overlayer_lowered:
.L_overlay_start_2:
0x48: {  	(tag) =	ssettag $0x2  }
0x49: {  	s0 =	rddreg [dreg:$0x0];
	s2 =	stileid.u32  }
0x4a: {  	s1 =	rddreg [dreg:$0x1];
	p0 =	sne.s32 s2, $0x0  }
0x4b: {  	s3 =	rddreg [dreg:$0x2];
	[bflag:$0x3] =	sbarrier.arrive $0xFFFF;
	s2 =	simm.s32 @!p0 $0x1C01  }
0x4c: {  	[timem:s3], [sflag:s2] =	dma.local @!p0 [hbm:s0], s1  }
0x4d: {  	s0 =	simm.s32 @!p0 $0x1  }
0x4e: {  	_ =	swait.ge @!p0 [sflag:s0], s1  }
0x4f: {  	s1 =	ssub.s32 @!p0 $0x0, s1;
	[sflag:s0] =	ssyncset.done @!p0 $0x0  }
0x50: {  	[sflag:s0] =	ssyncadd.s32 @!p0 s1  }
0x51: {  	[bflag:$0x3] =	sbarrier.arrive $0xFFFF  }
0x52: {  	_ =	shalt  }

</sc_bundles>
